<compile_context>
chip_gen: v7x
topology: tpu7x:2x2x1
jax: 0.10.2.dev20260603
libtpu: 0.0.44.dev20260713+nightly
codegen_flags: <defaults>
</compile_context>

<pallas_src>
import functools

import jax
import jax.numpy as jnp
from jax import lax
from jax.experimental import pallas as pl
from jax.experimental.pallas import tpu as pltpu
from jax.experimental.pallas import tpu_sc as plsc

N = 10000
D = 128
H = 128
O = 64
E = 320000

NC = 2
NS = 16
NW = NC * NS

CHUNK = 112
NCHUNK = 90
NPAIR = NCHUNK // 2
EPW = NCHUNK * CHUNK
EPAD = NW * EPW

ROWS_PT = 632
NPAD = NS * ROWS_PT

BN = 1000


def _sc_mesh():
    return plsc.VectorSubcoreMesh(core_axis_name="c", subcore_axis_name="s")


@functools.partial(
    pl.kernel,
    out_type=jax.ShapeDtypeStruct((NC, NPAD, H), jnp.float32),
    mesh=_sc_mesh(),
    scratch_types=[
        pltpu.VMEM((EPW,), jnp.int32),
        pltpu.VMEM((CHUNK, H), jnp.float32),
        pltpu.VMEM_SHARED((NPAD, H), jnp.float32),
    ],
)
def _sc_degree(dste_hbm, ones_hbm, zeros_hbm, out_hbm, dst_all, ones_v,
               deg_sh):
    c = lax.axis_index("c")
    s = lax.axis_index("s")
    w = c * NS + s
    base = s * ROWS_PT
    pltpu.sync_copy(zeros_hbm, deg_sh.at[pl.ds(base, ROWS_PT)])
    pltpu.sync_copy(ones_hbm, ones_v)
    pltpu.sync_copy(dste_hbm.at[pl.ds(w * EPW, EPW)], dst_all)
    plsc.subcore_barrier()

    def step(j, carry):
        pltpu.sync_copy(
            ones_v, deg_sh.at[dst_all.at[pl.ds(j * CHUNK, CHUNK)]],
            add=True)
        return carry

    lax.fori_loop(0, NCHUNK, step, 0)
    plsc.subcore_barrier()
    pltpu.sync_copy(deg_sh.at[pl.ds(base, ROWS_PT)],
                    out_hbm.at[c, pl.ds(base, ROWS_PT)])


@functools.partial(
    pl.kernel,
    out_type=jax.ShapeDtypeStruct((NC, NPAD, H), jnp.float32),
    mesh=_sc_mesh(),
    scratch_types=[
        pltpu.VMEM((EPW,), jnp.int32),
        pltpu.VMEM((EPW,), jnp.int32),
        pltpu.VMEM((CHUNK, H), jnp.float32),
        pltpu.VMEM((CHUNK, H), jnp.float32),
        pltpu.VMEM_SHARED((NPAD, H), jnp.float32),
        pltpu.SemaphoreType.DMA,
        pltpu.SemaphoreType.DMA,
    ],
)
def _sc_spmm(xp_hbm, srce_hbm, dste_hbm, zeros_hbm, out_hbm,
             src_all, dst_all, buf_a, buf_b, y_sh, sem_a, sem_b):
    c = lax.axis_index("c")
    s = lax.axis_index("s")
    w = c * NS + s
    base = s * ROWS_PT
    pltpu.sync_copy(zeros_hbm, y_sh.at[pl.ds(base, ROWS_PT)])
    pltpu.sync_copy(srce_hbm.at[pl.ds(w * EPW, EPW)], src_all)
    pltpu.sync_copy(dste_hbm.at[pl.ds(w * EPW, EPW)], dst_all)
    plsc.subcore_barrier()

    def _gather(j, buf, sem):
        pltpu.async_copy(
            xp_hbm.at[src_all.at[pl.ds(j * CHUNK, CHUNK)]], buf, sem)

    def _gather_wait(j, buf, sem):
        pltpu.make_async_copy(
            xp_hbm.at[src_all.at[pl.ds(j * CHUNK, CHUNK)]], buf, sem).wait()

    def _scatter(j, buf):
        pltpu.sync_copy(
            buf, y_sh.at[dst_all.at[pl.ds(j * CHUNK, CHUNK)]], add=True)

    _gather(0, buf_a, sem_a)

    def pair(i, carry):
        j = i * 2
        _gather(j + 1, buf_b, sem_b)
        _gather_wait(j, buf_a, sem_a)
        _scatter(j, buf_a)

        @pl.when(i < NPAIR - 1)
        def _():
            _gather(j + 2, buf_a, sem_a)

        _gather_wait(j + 1, buf_b, sem_b)
        _scatter(j + 1, buf_b)
        return carry

    lax.fori_loop(0, NPAIR, pair, 0)
    plsc.subcore_barrier()
    pltpu.sync_copy(y_sh.at[pl.ds(base, ROWS_PT)],
                    out_hbm.at[c, pl.ds(base, ROWS_PT)])


def _dis_from_deg(degp_ref):
    d0 = degp_ref[0, :, 0:1]
    d1 = degp_ref[1, :, 0:1]
    return lax.rsqrt(1.0 + d0 + d1)


def _tc_first_body(x_ref, w_ref, degp_ref, o_ref, dis_ref):
    t = jnp.dot(x_ref[...], w_ref[...], preferred_element_type=jnp.float32)
    dis = _dis_from_deg(degp_ref)
    dis_ref[...] = dis
    o_ref[...] = t * dis


def _tc_first(x, w, degp):
    return pl.pallas_call(
        _tc_first_body,
        grid=(N // BN,),
        in_specs=[pl.BlockSpec((BN, D), lambda i: (i, 0)),
                  pl.BlockSpec((D, H), lambda i: (0, 0)),
                  pl.BlockSpec((NC, BN, H), lambda i: (0, i, 0))],
        out_specs=[pl.BlockSpec((BN, H), lambda i: (i, 0)),
                   pl.BlockSpec((BN, 1), lambda i: (i, 0))],
        out_shape=[jax.ShapeDtypeStruct((N, H), jnp.float32),
                   jax.ShapeDtypeStruct((N, 1), jnp.float32)],
    )(x, w, degp)


def _tc_epi_body(y_ref, xp_ref, dis_ref, b_ref, g_ref, beta_ref, w_ref, o_ref):
    dis = dis_ref[...]
    h = dis * (y_ref[0] + y_ref[1] + xp_ref[...]) + b_ref[...]
    r = jnp.maximum(h, 0.0)
    mu = jnp.mean(r, axis=-1, keepdims=True)
    cen = r - mu
    var = jnp.mean(cen * cen, axis=-1, keepdims=True)
    ln = cen * lax.rsqrt(var + 1e-5) * g_ref[...] + beta_ref[...]
    o_ref[...] = jnp.dot(ln, w_ref[...],
                         preferred_element_type=jnp.float32) * dis


def _tc_epi(yp, xp, dis, b, g, beta, w):
    return pl.pallas_call(
        _tc_epi_body,
        grid=(N // BN,),
        in_specs=[pl.BlockSpec((NC, BN, H), lambda i: (0, i, 0)),
                  pl.BlockSpec((BN, H), lambda i: (i, 0)),
                  pl.BlockSpec((BN, 1), lambda i: (i, 0)),
                  pl.BlockSpec((1, H), lambda i: (0, 0)),
                  pl.BlockSpec((1, H), lambda i: (0, 0)),
                  pl.BlockSpec((1, H), lambda i: (0, 0)),
                  pl.BlockSpec((H, H), lambda i: (0, 0))],
        out_specs=pl.BlockSpec((BN, H), lambda i: (i, 0)),
        out_shape=jax.ShapeDtypeStruct((N, H), jnp.float32),
    )(yp, xp, dis, b, g, beta, w)


def _tc_final_body(y_ref, xp_ref, dis_ref, b_ref, pw1_ref, pb1_ref,
                   pw2_ref, pb2_ref, emb_ref, ls_ref):
    dis = dis_ref[...]
    h = dis * (y_ref[0] + y_ref[1] + xp_ref[...]) + b_ref[...]
    emb_ref[...] = h
    r = jnp.maximum(h, 0.0)
    t = jnp.dot(r, pw1_ref[...], preferred_element_type=jnp.float32) \
        + pb1_ref[...]
    u = jnp.dot(t, pw2_ref[...], preferred_element_type=jnp.float32) \
        + pb2_ref[...]
    m = jnp.max(u, axis=-1, keepdims=True)
    lse = jnp.log(jnp.sum(jnp.exp(u - m), axis=-1, keepdims=True)) + m
    ls_ref[...] = u - lse


def _tc_final(yp, xp, dis, b, pw1, pb1, pw2, pb2):
    return pl.pallas_call(
        _tc_final_body,
        grid=(N // BN,),
        in_specs=[pl.BlockSpec((NC, BN, H), lambda i: (0, i, 0)),
                  pl.BlockSpec((BN, H), lambda i: (i, 0)),
                  pl.BlockSpec((BN, 1), lambda i: (i, 0)),
                  pl.BlockSpec((1, H), lambda i: (0, 0)),
                  pl.BlockSpec((H, H), lambda i: (0, 0)),
                  pl.BlockSpec((1, H), lambda i: (0, 0)),
                  pl.BlockSpec((H, O), lambda i: (0, 0)),
                  pl.BlockSpec((1, O), lambda i: (0, 0))],
        out_specs=[pl.BlockSpec((BN, H), lambda i: (i, 0)),
                   pl.BlockSpec((BN, O), lambda i: (i, 0))],
        out_shape=[jax.ShapeDtypeStruct((N, H), jnp.float32),
                   jax.ShapeDtypeStruct((N, O), jnp.float32)],
    )(yp, xp, dis, b, pw1, pb1, pw2, pb2)


def kernel(x, edge_index, W1, b1, W2, b2, W3, b3,
           ln1_g, ln1_b, ln2_g, ln2_b, pW1, pb1, pW2, pb2):
    src = edge_index[0]
    dst = edge_index[1]
    npw = EPW - E // NW
    pad_src = (jnp.arange(npw, dtype=jnp.int32) * 57) % N
    pad_dst = N + (jnp.arange(npw, dtype=jnp.int32) % (NPAD - N))
    srce = jnp.concatenate(
        [src.reshape(NW, E // NW),
         jnp.broadcast_to(pad_src, (NW, npw))], axis=1).reshape(EPAD)
    dste = jnp.concatenate(
        [dst.reshape(NW, E // NW),
         jnp.broadcast_to(pad_dst, (NW, npw))], axis=1).reshape(EPAD)

    zeros_h = jnp.zeros((ROWS_PT, H), jnp.float32)
    ones_h = jnp.ones((CHUNK, H), jnp.float32)

    degp = _sc_degree(dste, ones_h, zeros_h)
    degp_n = degp[:, :N, :]

    x1p, dis = _tc_first(x, W1, degp_n)
    y1 = _sc_spmm(x1p, srce, dste, zeros_h)[:, :N, :]
    x2p = _tc_epi(y1, x1p, dis, b1.reshape(1, H),
                  ln1_g.reshape(1, H), ln1_b.reshape(1, H), W2)
    y2 = _sc_spmm(x2p, srce, dste, zeros_h)[:, :N, :]
    x3p = _tc_epi(y2, x2p, dis, b2.reshape(1, H),
                  ln2_g.reshape(1, H), ln2_b.reshape(1, H), W3)
    y3 = _sc_spmm(x3p, srce, dste, zeros_h)[:, :N, :]
    emb, logsm = _tc_final(y3, x3p, dis, b3.reshape(1, H),
                           pW1, pb1.reshape(1, H), pW2, pb2.reshape(1, O))
    return (emb, logsm)

# --- scband reference (transcript-rebuilt; emitter-appended) ---
"""Pipeline reference for scband-gcn-v1-34772055229087 (READ-ONLY COPY).

The authoritative reference and input builder live on the scoring server;
editing this copy changes nothing except your own understanding.
"""

import jax, jax.numpy as jnp
import numpy as np

N = 10000
D = 128
H = 128
O = 64
E = 320000


def setup_inputs(seed: int = 0) -> dict:
    key = jax.random.key(seed)
    ks = jax.random.split(key, 20)
    x = jax.random.normal(ks[0], (N, D), dtype=jnp.float32)
    edge_index = jax.random.randint(ks[1], (2, E), 0, N, dtype=jnp.int32)
    s = 0.05
    inp = {
        'x': x,
        'edge_index': edge_index,
        'W1': jax.random.normal(ks[2], (D, H), dtype=jnp.float32) * s,
        'b1': jnp.zeros((H,), dtype=jnp.float32),
        'W2': jax.random.normal(ks[3], (H, H), dtype=jnp.float32) * s,
        'b2': jnp.zeros((H,), dtype=jnp.float32),
        'W3': jax.random.normal(ks[4], (H, H), dtype=jnp.float32) * s,
        'b3': jnp.zeros((H,), dtype=jnp.float32),
        'ln1_g': jnp.ones((H,), dtype=jnp.float32),
        'ln1_b': jnp.zeros((H,), dtype=jnp.float32),
        'ln2_g': jnp.ones((H,), dtype=jnp.float32),
        'ln2_b': jnp.zeros((H,), dtype=jnp.float32),
        'pW1': jax.random.normal(ks[5], (H, H), dtype=jnp.float32) * s,
        'pb1': jnp.zeros((H,), dtype=jnp.float32),
        'pW2': jax.random.normal(ks[6], (H, O), dtype=jnp.float32) * s,
        'pb2': jnp.zeros((O,), dtype=jnp.float32),
    }
    return inp


def _gcn_conv(h, src, dst, W, b):
    # GCNConv: x @ W, add self loops, symmetric normalization D^-1/2 (A+I) D^-1/2
    h = h @ W
    loop = jnp.arange(N, dtype=src.dtype)
    s = jnp.concatenate([src, loop])
    d = jnp.concatenate([dst, loop])
    deg = jax.ops.segment_sum(jnp.ones_like(s, dtype=h.dtype), d, num_segments=N)
    dis = jnp.where(deg > 0, 1.0 / jnp.sqrt(jnp.maximum(deg, 1e-12)), 0.0)
    norm = dis[s] * dis[d]
    out = jax.ops.segment_sum(h[s] * norm[:, None], d, num_segments=N)
    return out + b


def _ln(x, g, b):
    mu = jnp.mean(x, axis=-1, keepdims=True)
    var = jnp.mean((x - mu) ** 2, axis=-1, keepdims=True)
    return (x - mu) / jnp.sqrt(var + 1e-5) * g + b


def reference(x, edge_index, W1, b1, W2, b2, W3, b3, ln1_g, ln1_b, ln2_g, ln2_b, pW1, pb1, pW2, pb2):
    src = edge_index[0]
    dst = edge_index[1]
    h = _gcn_conv(x, src, dst, W1, b1)
    emb = h
    h = jax.nn.relu(h)
    h = _ln(h, ln1_g, ln1_b)
    h = _gcn_conv(h, src, dst, W2, b2)
    emb = h
    h = jax.nn.relu(h)
    h = _ln(h, ln2_g, ln2_b)
    h = _gcn_conv(h, src, dst, W3, b3)
    emb = h
    h = jax.nn.relu(h)
    # post_mp: Linear -> Dropout(eval: identity) -> Linear
    out = h @ pW1 + pb1
    out = out @ pW2 + pb2
    return (emb, jax.nn.log_softmax(out, axis=1))

if __name__ == "__main__":
    import jax
    _d = setup_inputs()
    print(jax.jit(kernel)(*tuple(_d.values())))

</pallas_src>

<mosaic_0001>
#map = affine_map<(d0, d1) -> (0, 0)>
#map1 = affine_map<(d0, d1) -> (0)>
#map2 = affine_map<(d0, d1) -> (0, 0, 0)>
module attributes {stable_mosaic.version = 14 : i64} {
  func.func @_sc_spmm(%arg0: i32, %arg1: i32, %arg2: memref<10000x128xf32, #tpu.memory_space<hbm>>, %arg3: memref<322560xi32, #tpu.memory_space<hbm>>, %arg4: memref<322560xi32, #tpu.memory_space<hbm>>, %arg5: memref<632x128xf32, #tpu.memory_space<hbm>>, %arg6: memref<2x10112x128xf32, #tpu.memory_space<hbm>>, %arg7: memref<10080xi32, #tpu.memory_space<vmem>>, %arg8: memref<10080xi32, #tpu.memory_space<vmem>>, %arg9: memref<112x128xf32, #tpu.memory_space<vmem>>, %arg10: memref<112x128xf32, #tpu.memory_space<vmem>>, %arg11: memref<10112x128xf32, #tpu.memory_space<vmem_shared>>, %arg12: memref<!tpu.dma_semaphore, #tpu.memory_space<semaphore_mem>>, %arg13: memref<!tpu.dma_semaphore, #tpu.memory_space<semaphore_mem>>) attributes {dimension_semantics = [#tpu.dimension_semantics<core_parallel>, #tpu.dimension_semantics<subcore_parallel>], iteration_bounds = array<i64: 2, 16>, scalar_prefetch = 0 : i64, scratch_operands = 7 : i64, tpu.core_type = #tpu.core_type<sc_vector_subcore>, window_params = [{transform_indices = #map}, {transform_indices = #map1}, {transform_indices = #map1}, {transform_indices = #map}, {transform_indices = #map2}]} {
    %mul3A = arith.constant 16 : i32
    %mul3A_0 = arith.muli %arg0, %mul3A : i32
    %add3A = arith.addi %mul3A_0, %arg1 : i32
    %mul3A_1 = arith.constant 632 : i32
    %mul3A_2 = arith.muli %arg1, %mul3A_1 : i32
    "tpu.region"() ({
      %run_scoped3A = tpu.sem_alloc : memref<!tpu.dma_semaphore, #tpu.memory_space<semaphore_mem>>
      %dma_start3A_17 = arith.constant 0 : i32
      %dma_start3A_18 = tpu.memref_slice %arg11[%mul3A_2, %dma_start3A_17] : memref<10112x128xf32, #tpu.memory_space<vmem_shared>> -> memref<632x128xf32, #tpu.memory_space<vmem_shared>>
      tpu.enqueue_dma source(%arg5 : memref<632x128xf32, #tpu.memory_space<hbm>>) target(%dma_start3A_18 : memref<632x128xf32, #tpu.memory_space<vmem_shared>>) target_semaphore(%run_scoped3A : memref<!tpu.dma_semaphore, #tpu.memory_space<semaphore_mem>>)
      %dma_wait3A = arith.constant 0 : i32
      %dma_wait3A_19 = tpu.memref_slice %arg11[%mul3A_2, %dma_wait3A] : memref<10112x128xf32, #tpu.memory_space<vmem_shared>> -> memref<632x128xf32, #tpu.memory_space<vmem_shared>>
      tpu.wait_dma2 semaphore(%run_scoped3A : memref<!tpu.dma_semaphore, #tpu.memory_space<semaphore_mem>>) src(%arg5 : memref<632x128xf32, #tpu.memory_space<hbm>>) dst(%dma_wait3A_19 : memref<632x128xf32, #tpu.memory_space<vmem_shared>>)
      tpu.yield
    }) : () -> ()
    %mul3A_3 = arith.constant 10080 : i32
    %mul3A_4 = arith.muli %add3A, %mul3A_3 : i32
    "tpu.region"() ({
      %run_scoped3A = tpu.sem_alloc : memref<!tpu.dma_semaphore, #tpu.memory_space<semaphore_mem>>
      %dma_start3A_17 = tpu.memref_slice %arg3[%mul3A_4] : memref<322560xi32, #tpu.memory_space<hbm>> -> memref<10080xi32, #tpu.memory_space<hbm>>
      %dma_start3A_18 = tpu.memref_slice %arg3[%mul3A_4] : memref<322560xi32, #tpu.memory_space<hbm>> -> memref<10080xi32, #tpu.memory_space<hbm>>
      tpu.enqueue_dma source(%dma_start3A_18 : memref<10080xi32, #tpu.memory_space<hbm>>) target(%arg7 : memref<10080xi32, #tpu.memory_space<vmem>>) target_semaphore(%run_scoped3A : memref<!tpu.dma_semaphore, #tpu.memory_space<semaphore_mem>>)
      %dma_wait3A = tpu.memref_slice %arg3[%mul3A_4] : memref<322560xi32, #tpu.memory_space<hbm>> -> memref<10080xi32, #tpu.memory_space<hbm>>
      %dma_wait3A_19 = tpu.memref_slice %arg3[%mul3A_4] : memref<322560xi32, #tpu.memory_space<hbm>> -> memref<10080xi32, #tpu.memory_space<hbm>>
      tpu.wait_dma2 semaphore(%run_scoped3A : memref<!tpu.dma_semaphore, #tpu.memory_space<semaphore_mem>>) src(%dma_wait3A_19 : memref<10080xi32, #tpu.memory_space<hbm>>) dst(%arg7 : memref<10080xi32, #tpu.memory_space<vmem>>)
      tpu.yield
    }) : () -> ()
    %mul3A_5 = arith.constant 10080 : i32
    %mul3A_6 = arith.muli %add3A, %mul3A_5 : i32
    "tpu.region"() ({
      %run_scoped3A = tpu.sem_alloc : memref<!tpu.dma_semaphore, #tpu.memory_space<semaphore_mem>>
      %dma_start3A_17 = tpu.memref_slice %arg4[%mul3A_6] : memref<322560xi32, #tpu.memory_space<hbm>> -> memref<10080xi32, #tpu.memory_space<hbm>>
      %dma_start3A_18 = tpu.memref_slice %arg4[%mul3A_6] : memref<322560xi32, #tpu.memory_space<hbm>> -> memref<10080xi32, #tpu.memory_space<hbm>>
      tpu.enqueue_dma source(%dma_start3A_18 : memref<10080xi32, #tpu.memory_space<hbm>>) target(%arg8 : memref<10080xi32, #tpu.memory_space<vmem>>) target_semaphore(%run_scoped3A : memref<!tpu.dma_semaphore, #tpu.memory_space<semaphore_mem>>)
      %dma_wait3A = tpu.memref_slice %arg4[%mul3A_6] : memref<322560xi32, #tpu.memory_space<hbm>> -> memref<10080xi32, #tpu.memory_space<hbm>>
      %dma_wait3A_19 = tpu.memref_slice %arg4[%mul3A_6] : memref<322560xi32, #tpu.memory_space<hbm>> -> memref<10080xi32, #tpu.memory_space<hbm>>
      tpu.wait_dma2 semaphore(%run_scoped3A : memref<!tpu.dma_semaphore, #tpu.memory_space<semaphore_mem>>) src(%dma_wait3A_19 : memref<10080xi32, #tpu.memory_space<hbm>>) dst(%arg8 : memref<10080xi32, #tpu.memory_space<vmem>>)
      tpu.yield
    }) : () -> ()
    %barrier3A = arith.constant 0 : index
    tpu.barrier barrier_id(%barrier3A)
    %dma_start3A = arith.constant 0 : i32
    %dma_start3A_7 = tpu.memref_slice %arg7[%dma_start3A] : memref<10080xi32, #tpu.memory_space<vmem>> -> memref<112xi32, #tpu.memory_space<vmem>>
    %dma_start3A_8 = arith.constant 0 : i32
    %dma_start3A_9 = arith.constant 0 : i32
    %dma_start3A_10 = tpu.memref_slice %arg2[%dma_start3A_8, %dma_start3A_9] : memref<10000x128xf32, #tpu.memory_space<hbm>> -> memref<10000x128xf32, #tpu.memory_space<hbm>>
    tpu.enqueue_indirect_dma source(%dma_start3A_10 : memref<10000x128xf32, #tpu.memory_space<hbm>>) target(%arg9 : memref<112x128xf32, #tpu.memory_space<vmem>>) offsets(%dma_start3A_7 : memref<112xi32, #tpu.memory_space<vmem>>) semaphore(%arg12 : memref<!tpu.dma_semaphore, #tpu.memory_space<semaphore_mem>>)
    %scan3A = arith.constant 0 : i32
    %scan3A_11 = arith.constant 0 : i32
    %scan3A_12 = arith.constant 45 : i32
    %scan3A_13 = arith.addi %scan3A_11, %scan3A_12 : i32
    %scan3A_14 = arith.constant 1 : i32
    scf.for %scan3A_17 = %scan3A_11 to %scan3A_13 step %scan3A_14  : i32 {
      %mul3A_18 = arith.constant 2 : i32
      %mul3A_19 = arith.muli %scan3A_17, %mul3A_18 : i32
      %add3A_20 = arith.constant 1 : i32
      %add3A_21 = arith.addi %mul3A_19, %add3A_20 : i32
      %mul3A_22 = arith.constant 112 : i32
      %mul3A_23 = arith.muli %add3A_21, %mul3A_22 : i32
      %dma_start3A_24 = tpu.memref_slice %arg7[%mul3A_23] : memref<10080xi32, #tpu.memory_space<vmem>> -> memref<112xi32, #tpu.memory_space<vmem>>
      %dma_start3A_25 = arith.constant 0 : i32
      %dma_start3A_26 = arith.constant 0 : i32
      %dma_start3A_27 = tpu.memref_slice %arg2[%dma_start3A_25, %dma_start3A_26] : memref<10000x128xf32, #tpu.memory_space<hbm>> -> memref<10000x128xf32, #tpu.memory_space<hbm>>
      tpu.enqueue_indirect_dma source(%dma_start3A_27 : memref<10000x128xf32, #tpu.memory_space<hbm>>) target(%arg10 : memref<112x128xf32, #tpu.memory_space<vmem>>) offsets(%dma_start3A_24 : memref<112xi32, #tpu.memory_space<vmem>>) semaphore(%arg13 : memref<!tpu.dma_semaphore, #tpu.memory_space<semaphore_mem>>)
      %mul3A_28 = arith.constant 112 : i32
      %mul3A_29 = arith.muli %mul3A_19, %mul3A_28 : i32
      %dma_wait3A = tpu.memref_slice %arg7[%mul3A_29] : memref<10080xi32, #tpu.memory_space<vmem>> -> memref<112xi32, #tpu.memory_space<vmem>>
      %dma_wait3A_30 = arith.constant 0 : i32
      %dma_wait3A_31 = arith.constant 0 : i32
      %dma_wait3A_32 = tpu.memref_slice %arg2[%dma_wait3A_30, %dma_wait3A_31] : memref<10000x128xf32, #tpu.memory_space<hbm>> -> memref<10000x128xf32, #tpu.memory_space<hbm>>
      tpu.wait_indirect_dma semaphore(%arg12 : memref<!tpu.dma_semaphore, #tpu.memory_space<semaphore_mem>>) src(%dma_wait3A_32 : memref<10000x128xf32, #tpu.memory_space<hbm>>) dst(%arg9 : memref<112x128xf32, #tpu.memory_space<vmem>>)
      %mul3A_33 = arith.constant 112 : i32
      %mul3A_34 = arith.muli %mul3A_19, %mul3A_33 : i32
      "tpu.region"() ({
        %run_scoped3A = tpu.sem_alloc : memref<!tpu.dma_semaphore, #tpu.memory_space<semaphore_mem>>
        %dma_start3A_49 = tpu.memref_slice %arg8[%mul3A_34] : memref<10080xi32, #tpu.memory_space<vmem>> -> memref<112xi32, #tpu.memory_space<vmem>>
        %dma_start3A_50 = arith.constant 0 : i32
        %dma_start3A_51 = arith.constant 0 : i32
        %dma_start3A_52 = tpu.memref_slice %arg11[%dma_start3A_50, %dma_start3A_51] : memref<10112x128xf32, #tpu.memory_space<vmem_shared>> -> memref<10112x128xf32, #tpu.memory_space<vmem_shared>>
        tpu.enqueue_indirect_dma source(%arg9 : memref<112x128xf32, #tpu.memory_space<vmem>>) target(%dma_start3A_52 : memref<10112x128xf32, #tpu.memory_space<vmem_shared>>) offsets(%dma_start3A_49 : memref<112xi32, #tpu.memory_space<vmem>>) semaphore(%run_scoped3A : memref<!tpu.dma_semaphore, #tpu.memory_space<semaphore_mem>>) {add = true}
        %dma_wait3A_53 = tpu.memref_slice %arg8[%mul3A_34] : memref<10080xi32, #tpu.memory_space<vmem>> -> memref<112xi32, #tpu.memory_space<vmem>>
        %dma_wait3A_54 = arith.constant 0 : i32
        %dma_wait3A_55 = arith.constant 0 : i32
        %dma_wait3A_56 = tpu.memref_slice %arg11[%dma_wait3A_54, %dma_wait3A_55] : memref<10112x128xf32, #tpu.memory_space<vmem_shared>> -> memref<10112x128xf32, #tpu.memory_space<vmem_shared>>
        tpu.wait_indirect_dma semaphore(%run_scoped3A : memref<!tpu.dma_semaphore, #tpu.memory_space<semaphore_mem>>) src(%arg9 : memref<112x128xf32, #tpu.memory_space<vmem>>) dst(%dma_wait3A_56 : memref<10112x128xf32, #tpu.memory_space<vmem_shared>>)
        tpu.yield
      }) : () -> ()
      %lt3A = arith.constant 44 : i32
      %lt3A_35 = arith.cmpi slt, %scan3A_17, %lt3A : i32
      %convert_element_type3A = arith.extui %lt3A_35 : i1 to i32
      %cond3A = arith.constant 0 : i32
      %cond3A_36 = arith.cmpi ne, %convert_element_type3A, %cond3A : i32
      scf.if %cond3A_36 {
        %add3A_49 = arith.constant 2 : i32
        %add3A_50 = arith.addi %mul3A_19, %add3A_49 : i32
        %mul3A_51 = arith.constant 112 : i32
        %mul3A_52 = arith.muli %add3A_50, %mul3A_51 : i32
        %dma_start3A_53 = tpu.memref_slice %arg7[%mul3A_52] : memref<10080xi32, #tpu.memory_space<vmem>> -> memref<112xi32, #tpu.memory_space<vmem>>
        %dma_start3A_54 = arith.constant 0 : i32
        %dma_start3A_55 = arith.constant 0 : i32
        %dma_start3A_56 = tpu.memref_slice %arg2[%dma_start3A_54, %dma_start3A_55] : memref<10000x128xf32, #tpu.memory_space<hbm>> -> memref<10000x128xf32, #tpu.memory_space<hbm>>
        tpu.enqueue_indirect_dma source(%dma_start3A_56 : memref<10000x128xf32, #tpu.memory_space<hbm>>) target(%arg9 : memref<112x128xf32, #tpu.memory_space<vmem>>) offsets(%dma_start3A_53 : memref<112xi32, #tpu.memory_space<vmem>>) semaphore(%arg12 : memref<!tpu.dma_semaphore, #tpu.memory_space<semaphore_mem>>)
      } else {
      }
      %add3A_37 = arith.constant 1 : i32
      %add3A_38 = arith.addi %mul3A_19, %add3A_37 : i32
      %mul3A_39 = arith.constant 112 : i32
      %mul3A_40 = arith.muli %add3A_38, %mul3A_39 : i32
      %dma_wait3A_41 = tpu.memref_slice %arg7[%mul3A_40] : memref<10080xi32, #tpu.memory_space<vmem>> -> memref<112xi32, #tpu.memory_space<vmem>>
      %dma_wait3A_42 = arith.constant 0 : i32
      %dma_wait3A_43 = arith.constant 0 : i32
      %dma_wait3A_44 = tpu.memref_slice %arg2[%dma_wait3A_42, %dma_wait3A_43] : memref<10000x128xf32, #tpu.memory_space<hbm>> -> memref<10000x128xf32, #tpu.memory_space<hbm>>
      tpu.wait_indirect_dma semaphore(%arg13 : memref<!tpu.dma_semaphore, #tpu.memory_space<semaphore_mem>>) src(%dma_wait3A_44 : memref<10000x128xf32, #tpu.memory_space<hbm>>) dst(%arg10 : memref<112x128xf32, #tpu.memory_space<vmem>>)
      %add3A_45 = arith.constant 1 : i32
      %add3A_46 = arith.addi %mul3A_19, %add3A_45 : i32
      %mul3A_47 = arith.constant 112 : i32
      %mul3A_48 = arith.muli %add3A_46, %mul3A_47 : i32
      "tpu.region"() ({
        %run_scoped3A = tpu.sem_alloc : memref<!tpu.dma_semaphore, #tpu.memory_space<semaphore_mem>>
        %dma_start3A_49 = tpu.memref_slice %arg8[%mul3A_48] : memref<10080xi32, #tpu.memory_space<vmem>> -> memref<112xi32, #tpu.memory_space<vmem>>
        %dma_start3A_50 = arith.constant 0 : i32
        %dma_start3A_51 = arith.constant 0 : i32
        %dma_start3A_52 = tpu.memref_slice %arg11[%dma_start3A_50, %dma_start3A_51] : memref<10112x128xf32, #tpu.memory_space<vmem_shared>> -> memref<10112x128xf32, #tpu.memory_space<vmem_shared>>
        tpu.enqueue_indirect_dma source(%arg10 : memref<112x128xf32, #tpu.memory_space<vmem>>) target(%dma_start3A_52 : memref<10112x128xf32, #tpu.memory_space<vmem_shared>>) offsets(%dma_start3A_49 : memref<112xi32, #tpu.memory_space<vmem>>) semaphore(%run_scoped3A : memref<!tpu.dma_semaphore, #tpu.memory_space<semaphore_mem>>) {add = true}
        %dma_wait3A_53 = tpu.memref_slice %arg8[%mul3A_48] : memref<10080xi32, #tpu.memory_space<vmem>> -> memref<112xi32, #tpu.memory_space<vmem>>
        %dma_wait3A_54 = arith.constant 0 : i32
        %dma_wait3A_55 = arith.constant 0 : i32
        %dma_wait3A_56 = tpu.memref_slice %arg11[%dma_wait3A_54, %dma_wait3A_55] : memref<10112x128xf32, #tpu.memory_space<vmem_shared>> -> memref<10112x128xf32, #tpu.memory_space<vmem_shared>>
        tpu.wait_indirect_dma semaphore(%run_scoped3A : memref<!tpu.dma_semaphore, #tpu.memory_space<semaphore_mem>>) src(%arg10 : memref<112x128xf32, #tpu.memory_space<vmem>>) dst(%dma_wait3A_56 : memref<10112x128xf32, #tpu.memory_space<vmem_shared>>)
        tpu.yield
      }) : () -> ()
    }
    %scan3A_15 = arith.constant 45 : i32
    %barrier3A_16 = arith.constant 0 : index
    tpu.barrier barrier_id(%barrier3A_16)
    "tpu.region"() ({
      %run_scoped3A = tpu.sem_alloc : memref<!tpu.dma_semaphore, #tpu.memory_space<semaphore_mem>>
      %dma_start3A_17 = arith.constant 0 : i32
      %dma_start3A_18 = tpu.memref_slice %arg6[%arg0, %mul3A_2, %dma_start3A_17] : memref<2x10112x128xf32, #tpu.memory_space<hbm>> -> memref<1x632x128xf32, #tpu.memory_space<hbm>>
      %dma_start3A_19 = tpu.memref_squeeze %dma_start3A_18 : memref<1x632x128xf32, #tpu.memory_space<hbm>> -> memref<632x128xf32, #tpu.memory_space<hbm>>
      %dma_start3A_20 = arith.constant 0 : i32
      %dma_start3A_21 = tpu.memref_slice %arg11[%mul3A_2, %dma_start3A_20] : memref<10112x128xf32, #tpu.memory_space<vmem_shared>> -> memref<632x128xf32, #tpu.memory_space<vmem_shared>>
      tpu.enqueue_dma source(%dma_start3A_21 : memref<632x128xf32, #tpu.memory_space<vmem_shared>>) target(%dma_start3A_19 : memref<632x128xf32, #tpu.memory_space<hbm>>) target_semaphore(%run_scoped3A : memref<!tpu.dma_semaphore, #tpu.memory_space<semaphore_mem>>)
      %dma_wait3A = arith.constant 0 : i32
      %dma_wait3A_22 = tpu.memref_slice %arg6[%arg0, %mul3A_2, %dma_wait3A] : memref<2x10112x128xf32, #tpu.memory_space<hbm>> -> memref<1x632x128xf32, #tpu.memory_space<hbm>>
      %dma_wait3A_23 = tpu.memref_squeeze %dma_wait3A_22 : memref<1x632x128xf32, #tpu.memory_space<hbm>> -> memref<632x128xf32, #tpu.memory_space<hbm>>
      %dma_wait3A_24 = arith.constant 0 : i32
      %dma_wait3A_25 = tpu.memref_slice %arg11[%mul3A_2, %dma_wait3A_24] : memref<10112x128xf32, #tpu.memory_space<vmem_shared>> -> memref<632x128xf32, #tpu.memory_space<vmem_shared>>
      tpu.wait_dma2 semaphore(%run_scoped3A : memref<!tpu.dma_semaphore, #tpu.memory_space<semaphore_mem>>) src(%dma_wait3A_25 : memref<632x128xf32, #tpu.memory_space<vmem_shared>>) dst(%dma_wait3A_23 : memref<632x128xf32, #tpu.memory_space<hbm>>)
      tpu.yield
    }) : () -> ()
    return
  }
}

#map = affine_map<(d0, d1) -> (0)>
#map1 = affine_map<(d0, d1) -> (0, 0)>
#map2 = affine_map<(d0, d1) -> (0, 0, 0)>
module attributes {stable_mosaic.version = 14 : i64} {
  func.func @_sc_degree(%arg0: i32, %arg1: i32, %arg2: memref<322560xi32, #tpu.memory_space<hbm>>, %arg3: memref<112x128xf32, #tpu.memory_space<hbm>>, %arg4: memref<632x128xf32, #tpu.memory_space<hbm>>, %arg5: memref<2x10112x128xf32, #tpu.memory_space<hbm>>, %arg6: memref<10080xi32, #tpu.memory_space<vmem>>, %arg7: memref<112x128xf32, #tpu.memory_space<vmem>>, %arg8: memref<10112x128xf32, #tpu.memory_space<vmem_shared>>) attributes {dimension_semantics = [#tpu.dimension_semantics<core_parallel>, #tpu.dimension_semantics<subcore_parallel>], iteration_bounds = array<i64: 2, 16>, scalar_prefetch = 0 : i64, scratch_operands = 3 : i64, tpu.core_type = #tpu.core_type<sc_vector_subcore>, window_params = [{transform_indices = #map}, {transform_indices = #map1}, {transform_indices = #map1}, {transform_indices = #map2}]} {
    %mul3A = arith.constant 16 : i32
    %mul3A_0 = arith.muli %arg0, %mul3A : i32
    %add3A = arith.addi %mul3A_0, %arg1 : i32
    %mul3A_1 = arith.constant 632 : i32
    %mul3A_2 = arith.muli %arg1, %mul3A_1 : i32
    "tpu.region"() ({
      %run_scoped3A = tpu.sem_alloc : memref<!tpu.dma_semaphore, #tpu.memory_space<semaphore_mem>>
      %dma_start3A = arith.constant 0 : i32
      %dma_start3A_11 = tpu.memref_slice %arg8[%mul3A_2, %dma_start3A] : memref<10112x128xf32, #tpu.memory_space<vmem_shared>> -> memref<632x128xf32, #tpu.memory_space<vmem_shared>>
      tpu.enqueue_dma source(%arg4 : memref<632x128xf32, #tpu.memory_space<hbm>>) target(%dma_start3A_11 : memref<632x128xf32, #tpu.memory_space<vmem_shared>>) target_semaphore(%run_scoped3A : memref<!tpu.dma_semaphore, #tpu.memory_space<semaphore_mem>>)
      %dma_wait3A = arith.constant 0 : i32
      %dma_wait3A_12 = tpu.memref_slice %arg8[%mul3A_2, %dma_wait3A] : memref<10112x128xf32, #tpu.memory_space<vmem_shared>> -> memref<632x128xf32, #tpu.memory_space<vmem_shared>>
      tpu.wait_dma2 semaphore(%run_scoped3A : memref<!tpu.dma_semaphore, #tpu.memory_space<semaphore_mem>>) src(%arg4 : memref<632x128xf32, #tpu.memory_space<hbm>>) dst(%dma_wait3A_12 : memref<632x128xf32, #tpu.memory_space<vmem_shared>>)
      tpu.yield
    }) : () -> ()
    "tpu.region"() ({
      %run_scoped3A = tpu.sem_alloc : memref<!tpu.dma_semaphore, #tpu.memory_space<semaphore_mem>>
      tpu.enqueue_dma source(%arg3 : memref<112x128xf32, #tpu.memory_space<hbm>>) target(%arg7 : memref<112x128xf32, #tpu.memory_space<vmem>>) target_semaphore(%run_scoped3A : memref<!tpu.dma_semaphore, #tpu.memory_space<semaphore_mem>>)
      tpu.wait_dma2 semaphore(%run_scoped3A : memref<!tpu.dma_semaphore, #tpu.memory_space<semaphore_mem>>) src(%arg3 : memref<112x128xf32, #tpu.memory_space<hbm>>) dst(%arg7 : memref<112x128xf32, #tpu.memory_space<vmem>>)
      tpu.yield
    }) : () -> ()
    %mul3A_3 = arith.constant 10080 : i32
    %mul3A_4 = arith.muli %add3A, %mul3A_3 : i32
    "tpu.region"() ({
      %run_scoped3A = tpu.sem_alloc : memref<!tpu.dma_semaphore, #tpu.memory_space<semaphore_mem>>
      %dma_start3A = tpu.memref_slice %arg2[%mul3A_4] : memref<322560xi32, #tpu.memory_space<hbm>> -> memref<10080xi32, #tpu.memory_space<hbm>>
      %dma_start3A_11 = tpu.memref_slice %arg2[%mul3A_4] : memref<322560xi32, #tpu.memory_space<hbm>> -> memref<10080xi32, #tpu.memory_space<hbm>>
      tpu.enqueue_dma source(%dma_start3A_11 : memref<10080xi32, #tpu.memory_space<hbm>>) target(%arg6 : memref<10080xi32, #tpu.memory_space<vmem>>) target_semaphore(%run_scoped3A : memref<!tpu.dma_semaphore, #tpu.memory_space<semaphore_mem>>)
      %dma_wait3A = tpu.memref_slice %arg2[%mul3A_4] : memref<322560xi32, #tpu.memory_space<hbm>> -> memref<10080xi32, #tpu.memory_space<hbm>>
      %dma_wait3A_12 = tpu.memref_slice %arg2[%mul3A_4] : memref<322560xi32, #tpu.memory_space<hbm>> -> memref<10080xi32, #tpu.memory_space<hbm>>
      tpu.wait_dma2 semaphore(%run_scoped3A : memref<!tpu.dma_semaphore, #tpu.memory_space<semaphore_mem>>) src(%dma_wait3A_12 : memref<10080xi32, #tpu.memory_space<hbm>>) dst(%arg6 : memref<10080xi32, #tpu.memory_space<vmem>>)
      tpu.yield
    }) : () -> ()
    %barrier3A = arith.constant 0 : index
    tpu.barrier barrier_id(%barrier3A)
    %scan3A = arith.constant 0 : i32
    %scan3A_5 = arith.constant 0 : i32
    %scan3A_6 = arith.constant 90 : i32
    %scan3A_7 = arith.addi %scan3A_5, %scan3A_6 : i32
    %scan3A_8 = arith.constant 1 : i32
    scf.for %scan3A_11 = %scan3A_5 to %scan3A_7 step %scan3A_8  : i32 {
      %mul3A_12 = arith.constant 112 : i32
      %mul3A_13 = arith.muli %scan3A_11, %mul3A_12 : i32
      "tpu.region"() ({
        %run_scoped3A = tpu.sem_alloc : memref<!tpu.dma_semaphore, #tpu.memory_space<semaphore_mem>>
        %dma_start3A = tpu.memref_slice %arg6[%mul3A_13] : memref<10080xi32, #tpu.memory_space<vmem>> -> memref<112xi32, #tpu.memory_space<vmem>>
        %dma_start3A_14 = arith.constant 0 : i32
        %dma_start3A_15 = arith.constant 0 : i32
        %dma_start3A_16 = tpu.memref_slice %arg8[%dma_start3A_14, %dma_start3A_15] : memref<10112x128xf32, #tpu.memory_space<vmem_shared>> -> memref<10112x128xf32, #tpu.memory_space<vmem_shared>>
        tpu.enqueue_indirect_dma source(%arg7 : memref<112x128xf32, #tpu.memory_space<vmem>>) target(%dma_start3A_16 : memref<10112x128xf32, #tpu.memory_space<vmem_shared>>) offsets(%dma_start3A : memref<112xi32, #tpu.memory_space<vmem>>) semaphore(%run_scoped3A : memref<!tpu.dma_semaphore, #tpu.memory_space<semaphore_mem>>) {add = true}
        %dma_wait3A = tpu.memref_slice %arg6[%mul3A_13] : memref<10080xi32, #tpu.memory_space<vmem>> -> memref<112xi32, #tpu.memory_space<vmem>>
        %dma_wait3A_17 = arith.constant 0 : i32
        %dma_wait3A_18 = arith.constant 0 : i32
        %dma_wait3A_19 = tpu.memref_slice %arg8[%dma_wait3A_17, %dma_wait3A_18] : memref<10112x128xf32, #tpu.memory_space<vmem_shared>> -> memref<10112x128xf32, #tpu.memory_space<vmem_shared>>
        tpu.wait_indirect_dma semaphore(%run_scoped3A : memref<!tpu.dma_semaphore, #tpu.memory_space<semaphore_mem>>) src(%arg7 : memref<112x128xf32, #tpu.memory_space<vmem>>) dst(%dma_wait3A_19 : memref<10112x128xf32, #tpu.memory_space<vmem_shared>>)
        tpu.yield
      }) : () -> ()
    }
    %scan3A_9 = arith.constant 90 : i32
    %barrier3A_10 = arith.constant 0 : index
    tpu.barrier barrier_id(%barrier3A_10)
    "tpu.region"() ({
      %run_scoped3A = tpu.sem_alloc : memref<!tpu.dma_semaphore, #tpu.memory_space<semaphore_mem>>
      %dma_start3A = arith.constant 0 : i32
      %dma_start3A_11 = tpu.memref_slice %arg5[%arg0, %mul3A_2, %dma_start3A] : memref<2x10112x128xf32, #tpu.memory_space<hbm>> -> memref<1x632x128xf32, #tpu.memory_space<hbm>>
      %dma_start3A_12 = tpu.memref_squeeze %dma_start3A_11 : memref<1x632x128xf32, #tpu.memory_space<hbm>> -> memref<632x128xf32, #tpu.memory_space<hbm>>
      %dma_start3A_13 = arith.constant 0 : i32
      %dma_start3A_14 = tpu.memref_slice %arg8[%mul3A_2, %dma_start3A_13] : memref<10112x128xf32, #tpu.memory_space<vmem_shared>> -> memref<632x128xf32, #tpu.memory_space<vmem_shared>>
      tpu.enqueue_dma source(%dma_start3A_14 : memref<632x128xf32, #tpu.memory_space<vmem_shared>>) target(%dma_start3A_12 : memref<632x128xf32, #tpu.memory_space<hbm>>) target_semaphore(%run_scoped3A : memref<!tpu.dma_semaphore, #tpu.memory_space<semaphore_mem>>)
      %dma_wait3A = arith.constant 0 : i32
      %dma_wait3A_15 = tpu.memref_slice %arg5[%arg0, %mul3A_2, %dma_wait3A] : memref<2x10112x128xf32, #tpu.memory_space<hbm>> -> memref<1x632x128xf32, #tpu.memory_space<hbm>>
      %dma_wait3A_16 = tpu.memref_squeeze %dma_wait3A_15 : memref<1x632x128xf32, #tpu.memory_space<hbm>> -> memref<632x128xf32, #tpu.memory_space<hbm>>
      %dma_wait3A_17 = arith.constant 0 : i32
      %dma_wait3A_18 = tpu.memref_slice %arg8[%mul3A_2, %dma_wait3A_17] : memref<10112x128xf32, #tpu.memory_space<vmem_shared>> -> memref<632x128xf32, #tpu.memory_space<vmem_shared>>
      tpu.wait_dma2 semaphore(%run_scoped3A : memref<!tpu.dma_semaphore, #tpu.memory_space<semaphore_mem>>) src(%dma_wait3A_18 : memref<632x128xf32, #tpu.memory_space<vmem_shared>>) dst(%dma_wait3A_16 : memref<632x128xf32, #tpu.memory_space<hbm>>)
      tpu.yield
    }) : () -> ()
    return
  }
}

#map = affine_map<(d0, d1) -> (0, 0)>
#map1 = affine_map<(d0, d1) -> (0)>
#map2 = affine_map<(d0, d1) -> (0, 0, 0)>
module attributes {stable_mosaic.version = 14 : i64} {
  func.func @_sc_spmm(%arg0: i32, %arg1: i32, %arg2: memref<10000x128xf32, #tpu.memory_space<hbm>>, %arg3: memref<322560xi32, #tpu.memory_space<hbm>>, %arg4: memref<322560xi32, #tpu.memory_space<hbm>>, %arg5: memref<632x128xf32, #tpu.memory_space<hbm>>, %arg6: memref<2x10112x128xf32, #tpu.memory_space<hbm>>, %arg7: memref<10080xi32, #tpu.memory_space<vmem>>, %arg8: memref<10080xi32, #tpu.memory_space<vmem>>, %arg9: memref<112x128xf32, #tpu.memory_space<vmem>>, %arg10: memref<112x128xf32, #tpu.memory_space<vmem>>, %arg11: memref<10112x128xf32, #tpu.memory_space<vmem_shared>>, %arg12: memref<!tpu.dma_semaphore, #tpu.memory_space<semaphore_mem>>, %arg13: memref<!tpu.dma_semaphore, #tpu.memory_space<semaphore_mem>>) attributes {dimension_semantics = [#tpu.dimension_semantics<core_parallel>, #tpu.dimension_semantics<subcore_parallel>], iteration_bounds = array<i64: 2, 16>, scalar_prefetch = 0 : i64, scratch_operands = 7 : i64, tpu.core_type = #tpu.core_type<sc_vector_subcore>, window_params = [{transform_indices = #map}, {transform_indices = #map1}, {transform_indices = #map1}, {transform_indices = #map}, {transform_indices = #map2}]} {
    %mul3A = arith.constant 16 : i32
    %mul3A_0 = arith.muli %arg0, %mul3A : i32
    %add3A = arith.addi %mul3A_0, %arg1 : i32
    %mul3A_1 = arith.constant 632 : i32
    %mul3A_2 = arith.muli %arg1, %mul3A_1 : i32
    "tpu.region"() ({
      %run_scoped3A = tpu.sem_alloc : memref<!tpu.dma_semaphore, #tpu.memory_space<semaphore_mem>>
      %dma_start3A_17 = arith.constant 0 : i32
      %dma_start3A_18 = tpu.memref_slice %arg11[%mul3A_2, %dma_start3A_17] : memref<10112x128xf32, #tpu.memory_space<vmem_shared>> -> memref<632x128xf32, #tpu.memory_space<vmem_shared>>
      tpu.enqueue_dma source(%arg5 : memref<632x128xf32, #tpu.memory_space<hbm>>) target(%dma_start3A_18 : memref<632x128xf32, #tpu.memory_space<vmem_shared>>) target_semaphore(%run_scoped3A : memref<!tpu.dma_semaphore, #tpu.memory_space<semaphore_mem>>)
      %dma_wait3A = arith.constant 0 : i32
      %dma_wait3A_19 = tpu.memref_slice %arg11[%mul3A_2, %dma_wait3A] : memref<10112x128xf32, #tpu.memory_space<vmem_shared>> -> memref<632x128xf32, #tpu.memory_space<vmem_shared>>
      tpu.wait_dma2 semaphore(%run_scoped3A : memref<!tpu.dma_semaphore, #tpu.memory_space<semaphore_mem>>) src(%arg5 : memref<632x128xf32, #tpu.memory_space<hbm>>) dst(%dma_wait3A_19 : memref<632x128xf32, #tpu.memory_space<vmem_shared>>)
      tpu.yield
    }) : () -> ()
    %mul3A_3 = arith.constant 10080 : i32
    %mul3A_4 = arith.muli %add3A, %mul3A_3 : i32
    "tpu.region"() ({
      %run_scoped3A = tpu.sem_alloc : memref<!tpu.dma_semaphore, #tpu.memory_space<semaphore_mem>>
      %dma_start3A_17 = tpu.memref_slice %arg3[%mul3A_4] : memref<322560xi32, #tpu.memory_space<hbm>> -> memref<10080xi32, #tpu.memory_space<hbm>>
      %dma_start3A_18 = tpu.memref_slice %arg3[%mul3A_4] : memref<322560xi32, #tpu.memory_space<hbm>> -> memref<10080xi32, #tpu.memory_space<hbm>>
      tpu.enqueue_dma source(%dma_start3A_18 : memref<10080xi32, #tpu.memory_space<hbm>>) target(%arg7 : memref<10080xi32, #tpu.memory_space<vmem>>) target_semaphore(%run_scoped3A : memref<!tpu.dma_semaphore, #tpu.memory_space<semaphore_mem>>)
      %dma_wait3A = tpu.memref_slice %arg3[%mul3A_4] : memref<322560xi32, #tpu.memory_space<hbm>> -> memref<10080xi32, #tpu.memory_space<hbm>>
      %dma_wait3A_19 = tpu.memref_slice %arg3[%mul3A_4] : memref<322560xi32, #tpu.memory_space<hbm>> -> memref<10080xi32, #tpu.memory_space<hbm>>
      tpu.wait_dma2 semaphore(%run_scoped3A : memref<!tpu.dma_semaphore, #tpu.memory_space<semaphore_mem>>) src(%dma_wait3A_19 : memref<10080xi32, #tpu.memory_space<hbm>>) dst(%arg7 : memref<10080xi32, #tpu.memory_space<vmem>>)
      tpu.yield
    }) : () -> ()
    %mul3A_5 = arith.constant 10080 : i32
    %mul3A_6 = arith.muli %add3A, %mul3A_5 : i32
    "tpu.region"() ({
      %run_scoped3A = tpu.sem_alloc : memref<!tpu.dma_semaphore, #tpu.memory_space<semaphore_mem>>
      %dma_start3A_17 = tpu.memref_slice %arg4[%mul3A_6] : memref<322560xi32, #tpu.memory_space<hbm>> -> memref<10080xi32, #tpu.memory_space<hbm>>
      %dma_start3A_18 = tpu.memref_slice %arg4[%mul3A_6] : memref<322560xi32, #tpu.memory_space<hbm>> -> memref<10080xi32, #tpu.memory_space<hbm>>
      tpu.enqueue_dma source(%dma_start3A_18 : memref<10080xi32, #tpu.memory_space<hbm>>) target(%arg8 : memref<10080xi32, #tpu.memory_space<vmem>>) target_semaphore(%run_scoped3A : memref<!tpu.dma_semaphore, #tpu.memory_space<semaphore_mem>>)
      %dma_wait3A = tpu.memref_slice %arg4[%mul3A_6] : memref<322560xi32, #tpu.memory_space<hbm>> -> memref<10080xi32, #tpu.memory_space<hbm>>
      %dma_wait3A_19 = tpu.memref_slice %arg4[%mul3A_6] : memref<322560xi32, #tpu.memory_space<hbm>> -> memref<10080xi32, #tpu.memory_space<hbm>>
      tpu.wait_dma2 semaphore(%run_scoped3A : memref<!tpu.dma_semaphore, #tpu.memory_space<semaphore_mem>>) src(%dma_wait3A_19 : memref<10080xi32, #tpu.memory_space<hbm>>) dst(%arg8 : memref<10080xi32, #tpu.memory_space<vmem>>)
      tpu.yield
    }) : () -> ()
    %barrier3A = arith.constant 0 : index
    tpu.barrier barrier_id(%barrier3A)
    %dma_start3A = arith.constant 0 : i32
    %dma_start3A_7 = tpu.memref_slice %arg7[%dma_start3A] : memref<10080xi32, #tpu.memory_space<vmem>> -> memref<112xi32, #tpu.memory_space<vmem>>
    %dma_start3A_8 = arith.constant 0 : i32
    %dma_start3A_9 = arith.constant 0 : i32
    %dma_start3A_10 = tpu.memref_slice %arg2[%dma_start3A_8, %dma_start3A_9] : memref<10000x128xf32, #tpu.memory_space<hbm>> -> memref<10000x128xf32, #tpu.memory_space<hbm>>
    tpu.enqueue_indirect_dma source(%dma_start3A_10 : memref<10000x128xf32, #tpu.memory_space<hbm>>) target(%arg9 : memref<112x128xf32, #tpu.memory_space<vmem>>) offsets(%dma_start3A_7 : memref<112xi32, #tpu.memory_space<vmem>>) semaphore(%arg12 : memref<!tpu.dma_semaphore, #tpu.memory_space<semaphore_mem>>)
    %scan3A = arith.constant 0 : i32
    %scan3A_11 = arith.constant 0 : i32
    %scan3A_12 = arith.constant 45 : i32
    %scan3A_13 = arith.addi %scan3A_11, %scan3A_12 : i32
    %scan3A_14 = arith.constant 1 : i32
    scf.for %scan3A_17 = %scan3A_11 to %scan3A_13 step %scan3A_14  : i32 {
      %mul3A_18 = arith.constant 2 : i32
      %mul3A_19 = arith.muli %scan3A_17, %mul3A_18 : i32
      %add3A_20 = arith.constant 1 : i32
      %add3A_21 = arith.addi %mul3A_19, %add3A_20 : i32
      %mul3A_22 = arith.constant 112 : i32
      %mul3A_23 = arith.muli %add3A_21, %mul3A_22 : i32
      %dma_start3A_24 = tpu.memref_slice %arg7[%mul3A_23] : memref<10080xi32, #tpu.memory_space<vmem>> -> memref<112xi32, #tpu.memory_space<vmem>>
      %dma_start3A_25 = arith.constant 0 : i32
      %dma_start3A_26 = arith.constant 0 : i32
      %dma_start3A_27 = tpu.memref_slice %arg2[%dma_start3A_25, %dma_start3A_26] : memref<10000x128xf32, #tpu.memory_space<hbm>> -> memref<10000x128xf32, #tpu.memory_space<hbm>>
      tpu.enqueue_indirect_dma source(%dma_start3A_27 : memref<10000x128xf32, #tpu.memory_space<hbm>>) target(%arg10 : memref<112x128xf32, #tpu.memory_space<vmem>>) offsets(%dma_start3A_24 : memref<112xi32, #tpu.memory_space<vmem>>) semaphore(%arg13 : memref<!tpu.dma_semaphore, #tpu.memory_space<semaphore_mem>>)
      %mul3A_28 = arith.constant 112 : i32
      %mul3A_29 = arith.muli %mul3A_19, %mul3A_28 : i32
      %dma_wait3A = tpu.memref_slice %arg7[%mul3A_29] : memref<10080xi32, #tpu.memory_space<vmem>> -> memref<112xi32, #tpu.memory_space<vmem>>
      %dma_wait3A_30 = arith.constant 0 : i32
      %dma_wait3A_31 = arith.constant 0 : i32
      %dma_wait3A_32 = tpu.memref_slice %arg2[%dma_wait3A_30, %dma_wait3A_31] : memref<10000x128xf32, #tpu.memory_space<hbm>> -> memref<10000x128xf32, #tpu.memory_space<hbm>>
      tpu.wait_indirect_dma semaphore(%arg12 : memref<!tpu.dma_semaphore, #tpu.memory_space<semaphore_mem>>) src(%dma_wait3A_32 : memref<10000x128xf32, #tpu.memory_space<hbm>>) dst(%arg9 : memref<112x128xf32, #tpu.memory_space<vmem>>)
      %mul3A_33 = arith.constant 112 : i32
      %mul3A_34 = arith.muli %mul3A_19, %mul3A_33 : i32
      "tpu.region"() ({
        %run_scoped3A = tpu.sem_alloc : memref<!tpu.dma_semaphore, #tpu.memory_space<semaphore_mem>>
        %dma_start3A_49 = tpu.memref_slice %arg8[%mul3A_34] : memref<10080xi32, #tpu.memory_space<vmem>> -> memref<112xi32, #tpu.memory_space<vmem>>
        %dma_start3A_50 = arith.constant 0 : i32
        %dma_start3A_51 = arith.constant 0 : i32
        %dma_start3A_52 = tpu.memref_slice %arg11[%dma_start3A_50, %dma_start3A_51] : memref<10112x128xf32, #tpu.memory_space<vmem_shared>> -> memref<10112x128xf32, #tpu.memory_space<vmem_shared>>
        tpu.enqueue_indirect_dma source(%arg9 : memref<112x128xf32, #tpu.memory_space<vmem>>) target(%dma_start3A_52 : memref<10112x128xf32, #tpu.memory_space<vmem_shared>>) offsets(%dma_start3A_49 : memref<112xi32, #tpu.memory_space<vmem>>) semaphore(%run_scoped3A : memref<!tpu.dma_semaphore, #tpu.memory_space<semaphore_mem>>) {add = true}
        %dma_wait3A_53 = tpu.memref_slice %arg8[%mul3A_34] : memref<10080xi32, #tpu.memory_space<vmem>> -> memref<112xi32, #tpu.memory_space<vmem>>
        %dma_wait3A_54 = arith.constant 0 : i32
        %dma_wait3A_55 = arith.constant 0 : i32
        %dma_wait3A_56 = tpu.memref_slice %arg11[%dma_wait3A_54, %dma_wait3A_55] : memref<10112x128xf32, #tpu.memory_space<vmem_shared>> -> memref<10112x128xf32, #tpu.memory_space<vmem_shared>>
        tpu.wait_indirect_dma semaphore(%run_scoped3A : memref<!tpu.dma_semaphore, #tpu.memory_space<semaphore_mem>>) src(%arg9 : memref<112x128xf32, #tpu.memory_space<vmem>>) dst(%dma_wait3A_56 : memref<10112x128xf32, #tpu.memory_space<vmem_shared>>)
        tpu.yield
      }) : () -> ()
      %lt3A = arith.constant 44 : i32
      %lt3A_35 = arith.cmpi slt, %scan3A_17, %lt3A : i32
      %convert_element_type3A = arith.extui %lt3A_35 : i1 to i32
      %cond3A = arith.constant 0 : i32
      %cond3A_36 = arith.cmpi ne, %convert_element_type3A, %cond3A : i32
      scf.if %cond3A_36 {
        %add3A_49 = arith.constant 2 : i32
        %add3A_50 = arith.addi %mul3A_19, %add3A_49 : i32
        %mul3A_51 = arith.constant 112 : i32
        %mul3A_52 = arith.muli %add3A_50, %mul3A_51 : i32
        %dma_start3A_53 = tpu.memref_slice %arg7[%mul3A_52] : memref<10080xi32, #tpu.memory_space<vmem>> -> memref<112xi32, #tpu.memory_space<vmem>>
        %dma_start3A_54 = arith.constant 0 : i32
        %dma_start3A_55 = arith.constant 0 : i32
        %dma_start3A_56 = tpu.memref_slice %arg2[%dma_start3A_54, %dma_start3A_55] : memref<10000x128xf32, #tpu.memory_space<hbm>> -> memref<10000x128xf32, #tpu.memory_space<hbm>>
        tpu.enqueue_indirect_dma source(%dma_start3A_56 : memref<10000x128xf32, #tpu.memory_space<hbm>>) target(%arg9 : memref<112x128xf32, #tpu.memory_space<vmem>>) offsets(%dma_start3A_53 : memref<112xi32, #tpu.memory_space<vmem>>) semaphore(%arg12 : memref<!tpu.dma_semaphore, #tpu.memory_space<semaphore_mem>>)
      } else {
      }
      %add3A_37 = arith.constant 1 : i32
      %add3A_38 = arith.addi %mul3A_19, %add3A_37 : i32
      %mul3A_39 = arith.constant 112 : i32
      %mul3A_40 = arith.muli %add3A_38, %mul3A_39 : i32
      %dma_wait3A_41 = tpu.memref_slice %arg7[%mul3A_40] : memref<10080xi32, #tpu.memory_space<vmem>> -> memref<112xi32, #tpu.memory_space<vmem>>
      %dma_wait3A_42 = arith.constant 0 : i32
      %dma_wait3A_43 = arith.constant 0 : i32
      %dma_wait3A_44 = tpu.memref_slice %arg2[%dma_wait3A_42, %dma_wait3A_43] : memref<10000x128xf32, #tpu.memory_space<hbm>> -> memref<10000x128xf32, #tpu.memory_space<hbm>>
      tpu.wait_indirect_dma semaphore(%arg13 : memref<!tpu.dma_semaphore, #tpu.memory_space<semaphore_mem>>) src(%dma_wait3A_44 : memref<10000x128xf32, #tpu.memory_space<hbm>>) dst(%arg10 : memref<112x128xf32, #tpu.memory_space<vmem>>)
      %add3A_45 = arith.constant 1 : i32
      %add3A_46 = arith.addi %mul3A_19, %add3A_45 : i32
      %mul3A_47 = arith.constant 112 : i32
      %mul3A_48 = arith.muli %add3A_46, %mul3A_47 : i32
      "tpu.region"() ({
        %run_scoped3A = tpu.sem_alloc : memref<!tpu.dma_semaphore, #tpu.memory_space<semaphore_mem>>
        %dma_start3A_49 = tpu.memref_slice %arg8[%mul3A_48] : memref<10080xi32, #tpu.memory_space<vmem>> -> memref<112xi32, #tpu.memory_space<vmem>>
        %dma_start3A_50 = arith.constant 0 : i32
        %dma_start3A_51 = arith.constant 0 : i32
        %dma_start3A_52 = tpu.memref_slice %arg11[%dma_start3A_50, %dma_start3A_51] : memref<10112x128xf32, #tpu.memory_space<vmem_shared>> -> memref<10112x128xf32, #tpu.memory_space<vmem_shared>>
        tpu.enqueue_indirect_dma source(%arg10 : memref<112x128xf32, #tpu.memory_space<vmem>>) target(%dma_start3A_52 : memref<10112x128xf32, #tpu.memory_space<vmem_shared>>) offsets(%dma_start3A_49 : memref<112xi32, #tpu.memory_space<vmem>>) semaphore(%run_scoped3A : memref<!tpu.dma_semaphore, #tpu.memory_space<semaphore_mem>>) {add = true}
        %dma_wait3A_53 = tpu.memref_slice %arg8[%mul3A_48] : memref<10080xi32, #tpu.memory_space<vmem>> -> memref<112xi32, #tpu.memory_space<vmem>>
        %dma_wait3A_54 = arith.constant 0 : i32
        %dma_wait3A_55 = arith.constant 0 : i32
        %dma_wait3A_56 = tpu.memref_slice %arg11[%dma_wait3A_54, %dma_wait3A_55] : memref<10112x128xf32, #tpu.memory_space<vmem_shared>> -> memref<10112x128xf32, #tpu.memory_space<vmem_shared>>
        tpu.wait_indirect_dma semaphore(%run_scoped3A : memref<!tpu.dma_semaphore, #tpu.memory_space<semaphore_mem>>) src(%arg10 : memref<112x128xf32, #tpu.memory_space<vmem>>) dst(%dma_wait3A_56 : memref<10112x128xf32, #tpu.memory_space<vmem_shared>>)
        tpu.yield
      }) : () -> ()
    }
    %scan3A_15 = arith.constant 45 : i32
    %barrier3A_16 = arith.constant 0 : index
    tpu.barrier barrier_id(%barrier3A_16)
    "tpu.region"() ({
      %run_scoped3A = tpu.sem_alloc : memref<!tpu.dma_semaphore, #tpu.memory_space<semaphore_mem>>
      %dma_start3A_17 = arith.constant 0 : i32
      %dma_start3A_18 = tpu.memref_slice %arg6[%arg0, %mul3A_2, %dma_start3A_17] : memref<2x10112x128xf32, #tpu.memory_space<hbm>> -> memref<1x632x128xf32, #tpu.memory_space<hbm>>
      %dma_start3A_19 = tpu.memref_squeeze %dma_start3A_18 : memref<1x632x128xf32, #tpu.memory_space<hbm>> -> memref<632x128xf32, #tpu.memory_space<hbm>>
      %dma_start3A_20 = arith.constant 0 : i32
      %dma_start3A_21 = tpu.memref_slice %arg11[%mul3A_2, %dma_start3A_20] : memref<10112x128xf32, #tpu.memory_space<vmem_shared>> -> memref<632x128xf32, #tpu.memory_space<vmem_shared>>
      tpu.enqueue_dma source(%dma_start3A_21 : memref<632x128xf32, #tpu.memory_space<vmem_shared>>) target(%dma_start3A_19 : memref<632x128xf32, #tpu.memory_space<hbm>>) target_semaphore(%run_scoped3A : memref<!tpu.dma_semaphore, #tpu.memory_space<semaphore_mem>>)
      %dma_wait3A = arith.constant 0 : i32
      %dma_wait3A_22 = tpu.memref_slice %arg6[%arg0, %mul3A_2, %dma_wait3A] : memref<2x10112x128xf32, #tpu.memory_space<hbm>> -> memref<1x632x128xf32, #tpu.memory_space<hbm>>
      %dma_wait3A_23 = tpu.memref_squeeze %dma_wait3A_22 : memref<1x632x128xf32, #tpu.memory_space<hbm>> -> memref<632x128xf32, #tpu.memory_space<hbm>>
      %dma_wait3A_24 = arith.constant 0 : i32
      %dma_wait3A_25 = tpu.memref_slice %arg11[%mul3A_2, %dma_wait3A_24] : memref<10112x128xf32, #tpu.memory_space<vmem_shared>> -> memref<632x128xf32, #tpu.memory_space<vmem_shared>>
      tpu.wait_dma2 semaphore(%run_scoped3A : memref<!tpu.dma_semaphore, #tpu.memory_space<semaphore_mem>>) src(%dma_wait3A_25 : memref<632x128xf32, #tpu.memory_space<vmem_shared>>) dst(%dma_wait3A_23 : memref<632x128xf32, #tpu.memory_space<hbm>>)
      tpu.yield
    }) : () -> ()
    return
  }
}

#map = affine_map<(d0, d1) -> (0, 0)>
#map1 = affine_map<(d0, d1) -> (0)>
#map2 = affine_map<(d0, d1) -> (0, 0, 0)>
module attributes {stable_mosaic.version = 14 : i64} {
  func.func @_sc_spmm(%arg0: i32, %arg1: i32, %arg2: memref<10000x128xf32, #tpu.memory_space<hbm>>, %arg3: memref<322560xi32, #tpu.memory_space<hbm>>, %arg4: memref<322560xi32, #tpu.memory_space<hbm>>, %arg5: memref<632x128xf32, #tpu.memory_space<hbm>>, %arg6: memref<2x10112x128xf32, #tpu.memory_space<hbm>>, %arg7: memref<10080xi32, #tpu.memory_space<vmem>>, %arg8: memref<10080xi32, #tpu.memory_space<vmem>>, %arg9: memref<112x128xf32, #tpu.memory_space<vmem>>, %arg10: memref<112x128xf32, #tpu.memory_space<vmem>>, %arg11: memref<10112x128xf32, #tpu.memory_space<vmem_shared>>, %arg12: memref<!tpu.dma_semaphore, #tpu.memory_space<semaphore_mem>>, %arg13: memref<!tpu.dma_semaphore, #tpu.memory_space<semaphore_mem>>) attributes {dimension_semantics = [#tpu.dimension_semantics<core_parallel>, #tpu.dimension_semantics<subcore_parallel>], iteration_bounds = array<i64: 2, 16>, scalar_prefetch = 0 : i64, scratch_operands = 7 : i64, tpu.core_type = #tpu.core_type<sc_vector_subcore>, window_params = [{transform_indices = #map}, {transform_indices = #map1}, {transform_indices = #map1}, {transform_indices = #map}, {transform_indices = #map2}]} {
    %mul3A = arith.constant 16 : i32
    %mul3A_0 = arith.muli %arg0, %mul3A : i32
    %add3A = arith.addi %mul3A_0, %arg1 : i32
    %mul3A_1 = arith.constant 632 : i32
    %mul3A_2 = arith.muli %arg1, %mul3A_1 : i32
    "tpu.region"() ({
      %run_scoped3A = tpu.sem_alloc : memref<!tpu.dma_semaphore, #tpu.memory_space<semaphore_mem>>
      %dma_start3A_17 = arith.constant 0 : i32
      %dma_start3A_18 = tpu.memref_slice %arg11[%mul3A_2, %dma_start3A_17] : memref<10112x128xf32, #tpu.memory_space<vmem_shared>> -> memref<632x128xf32, #tpu.memory_space<vmem_shared>>
      tpu.enqueue_dma source(%arg5 : memref<632x128xf32, #tpu.memory_space<hbm>>) target(%dma_start3A_18 : memref<632x128xf32, #tpu.memory_space<vmem_shared>>) target_semaphore(%run_scoped3A : memref<!tpu.dma_semaphore, #tpu.memory_space<semaphore_mem>>)
      %dma_wait3A = arith.constant 0 : i32
      %dma_wait3A_19 = tpu.memref_slice %arg11[%mul3A_2, %dma_wait3A] : memref<10112x128xf32, #tpu.memory_space<vmem_shared>> -> memref<632x128xf32, #tpu.memory_space<vmem_shared>>
      tpu.wait_dma2 semaphore(%run_scoped3A : memref<!tpu.dma_semaphore, #tpu.memory_space<semaphore_mem>>) src(%arg5 : memref<632x128xf32, #tpu.memory_space<hbm>>) dst(%dma_wait3A_19 : memref<632x128xf32, #tpu.memory_space<vmem_shared>>)
      tpu.yield
    }) : () -> ()
    %mul3A_3 = arith.constant 10080 : i32
    %mul3A_4 = arith.muli %add3A, %mul3A_3 : i32
    "tpu.region"() ({
      %run_scoped3A = tpu.sem_alloc : memref<!tpu.dma_semaphore, #tpu.memory_space<semaphore_mem>>
      %dma_start3A_17 = tpu.memref_slice %arg3[%mul3A_4] : memref<322560xi32, #tpu.memory_space<hbm>> -> memref<10080xi32, #tpu.memory_space<hbm>>
      %dma_start3A_18 = tpu.memref_slice %arg3[%mul3A_4] : memref<322560xi32, #tpu.memory_space<hbm>> -> memref<10080xi32, #tpu.memory_space<hbm>>
      tpu.enqueue_dma source(%dma_start3A_18 : memref<10080xi32, #tpu.memory_space<hbm>>) target(%arg7 : memref<10080xi32, #tpu.memory_space<vmem>>) target_semaphore(%run_scoped3A : memref<!tpu.dma_semaphore, #tpu.memory_space<semaphore_mem>>)
      %dma_wait3A = tpu.memref_slice %arg3[%mul3A_4] : memref<322560xi32, #tpu.memory_space<hbm>> -> memref<10080xi32, #tpu.memory_space<hbm>>
      %dma_wait3A_19 = tpu.memref_slice %arg3[%mul3A_4] : memref<322560xi32, #tpu.memory_space<hbm>> -> memref<10080xi32, #tpu.memory_space<hbm>>
      tpu.wait_dma2 semaphore(%run_scoped3A : memref<!tpu.dma_semaphore, #tpu.memory_space<semaphore_mem>>) src(%dma_wait3A_19 : memref<10080xi32, #tpu.memory_space<hbm>>) dst(%arg7 : memref<10080xi32, #tpu.memory_space<vmem>>)
      tpu.yield
    }) : () -> ()
    %mul3A_5 = arith.constant 10080 : i32
    %mul3A_6 = arith.muli %add3A, %mul3A_5 : i32
    "tpu.region"() ({
      %run_scoped3A = tpu.sem_alloc : memref<!tpu.dma_semaphore, #tpu.memory_space<semaphore_mem>>
      %dma_start3A_17 = tpu.memref_slice %arg4[%mul3A_6] : memref<322560xi32, #tpu.memory_space<hbm>> -> memref<10080xi32, #tpu.memory_space<hbm>>
      %dma_start3A_18 = tpu.memref_slice %arg4[%mul3A_6] : memref<322560xi32, #tpu.memory_space<hbm>> -> memref<10080xi32, #tpu.memory_space<hbm>>
      tpu.enqueue_dma source(%dma_start3A_18 : memref<10080xi32, #tpu.memory_space<hbm>>) target(%arg8 : memref<10080xi32, #tpu.memory_space<vmem>>) target_semaphore(%run_scoped3A : memref<!tpu.dma_semaphore, #tpu.memory_space<semaphore_mem>>)
      %dma_wait3A = tpu.memref_slice %arg4[%mul3A_6] : memref<322560xi32, #tpu.memory_space<hbm>> -> memref<10080xi32, #tpu.memory_space<hbm>>
      %dma_wait3A_19 = tpu.memref_slice %arg4[%mul3A_6] : memref<322560xi32, #tpu.memory_space<hbm>> -> memref<10080xi32, #tpu.memory_space<hbm>>
      tpu.wait_dma2 semaphore(%run_scoped3A : memref<!tpu.dma_semaphore, #tpu.memory_space<semaphore_mem>>) src(%dma_wait3A_19 : memref<10080xi32, #tpu.memory_space<hbm>>) dst(%arg8 : memref<10080xi32, #tpu.memory_space<vmem>>)
      tpu.yield
    }) : () -> ()
    %barrier3A = arith.constant 0 : index
    tpu.barrier barrier_id(%barrier3A)
    %dma_start3A = arith.constant 0 : i32
    %dma_start3A_7 = tpu.memref_slice %arg7[%dma_start3A] : memref<10080xi32, #tpu.memory_space<vmem>> -> memref<112xi32, #tpu.memory_space<vmem>>
    %dma_start3A_8 = arith.constant 0 : i32
    %dma_start3A_9 = arith.constant 0 : i32
    %dma_start3A_10 = tpu.memref_slice %arg2[%dma_start3A_8, %dma_start3A_9] : memref<10000x128xf32, #tpu.memory_space<hbm>> -> memref<10000x128xf32, #tpu.memory_space<hbm>>
    tpu.enqueue_indirect_dma source(%dma_start3A_10 : memref<10000x128xf32, #tpu.memory_space<hbm>>) target(%arg9 : memref<112x128xf32, #tpu.memory_space<vmem>>) offsets(%dma_start3A_7 : memref<112xi32, #tpu.memory_space<vmem>>) semaphore(%arg12 : memref<!tpu.dma_semaphore, #tpu.memory_space<semaphore_mem>>)
    %scan3A = arith.constant 0 : i32
    %scan3A_11 = arith.constant 0 : i32
    %scan3A_12 = arith.constant 45 : i32
    %scan3A_13 = arith.addi %scan3A_11, %scan3A_12 : i32
    %scan3A_14 = arith.constant 1 : i32
    scf.for %scan3A_17 = %scan3A_11 to %scan3A_13 step %scan3A_14  : i32 {
      %mul3A_18 = arith.constant 2 : i32
      %mul3A_19 = arith.muli %scan3A_17, %mul3A_18 : i32
      %add3A_20 = arith.constant 1 : i32
      %add3A_21 = arith.addi %mul3A_19, %add3A_20 : i32
      %mul3A_22 = arith.constant 112 : i32
      %mul3A_23 = arith.muli %add3A_21, %mul3A_22 : i32
      %dma_start3A_24 = tpu.memref_slice %arg7[%mul3A_23] : memref<10080xi32, #tpu.memory_space<vmem>> -> memref<112xi32, #tpu.memory_space<vmem>>
      %dma_start3A_25 = arith.constant 0 : i32
      %dma_start3A_26 = arith.constant 0 : i32
      %dma_start3A_27 = tpu.memref_slice %arg2[%dma_start3A_25, %dma_start3A_26] : memref<10000x128xf32, #tpu.memory_space<hbm>> -> memref<10000x128xf32, #tpu.memory_space<hbm>>
      tpu.enqueue_indirect_dma source(%dma_start3A_27 : memref<10000x128xf32, #tpu.memory_space<hbm>>) target(%arg10 : memref<112x128xf32, #tpu.memory_space<vmem>>) offsets(%dma_start3A_24 : memref<112xi32, #tpu.memory_space<vmem>>) semaphore(%arg13 : memref<!tpu.dma_semaphore, #tpu.memory_space<semaphore_mem>>)
      %mul3A_28 = arith.constant 112 : i32
      %mul3A_29 = arith.muli %mul3A_19, %mul3A_28 : i32
      %dma_wait3A = tpu.memref_slice %arg7[%mul3A_29] : memref<10080xi32, #tpu.memory_space<vmem>> -> memref<112xi32, #tpu.memory_space<vmem>>
      %dma_wait3A_30 = arith.constant 0 : i32
      %dma_wait3A_31 = arith.constant 0 : i32
      %dma_wait3A_32 = tpu.memref_slice %arg2[%dma_wait3A_30, %dma_wait3A_31] : memref<10000x128xf32, #tpu.memory_space<hbm>> -> memref<10000x128xf32, #tpu.memory_space<hbm>>
      tpu.wait_indirect_dma semaphore(%arg12 : memref<!tpu.dma_semaphore, #tpu.memory_space<semaphore_mem>>) src(%dma_wait3A_32 : memref<10000x128xf32, #tpu.memory_space<hbm>>) dst(%arg9 : memref<112x128xf32, #tpu.memory_space<vmem>>)
      %mul3A_33 = arith.constant 112 : i32
      %mul3A_34 = arith.muli %mul3A_19, %mul3A_33 : i32
      "tpu.region"() ({
        %run_scoped3A = tpu.sem_alloc : memref<!tpu.dma_semaphore, #tpu.memory_space<semaphore_mem>>
        %dma_start3A_49 = tpu.memref_slice %arg8[%mul3A_34] : memref<10080xi32, #tpu.memory_space<vmem>> -> memref<112xi32, #tpu.memory_space<vmem>>
        %dma_start3A_50 = arith.constant 0 : i32
        %dma_start3A_51 = arith.constant 0 : i32
        %dma_start3A_52 = tpu.memref_slice %arg11[%dma_start3A_50, %dma_start3A_51] : memref<10112x128xf32, #tpu.memory_space<vmem_shared>> -> memref<10112x128xf32, #tpu.memory_space<vmem_shared>>
        tpu.enqueue_indirect_dma source(%arg9 : memref<112x128xf32, #tpu.memory_space<vmem>>) target(%dma_start3A_52 : memref<10112x128xf32, #tpu.memory_space<vmem_shared>>) offsets(%dma_start3A_49 : memref<112xi32, #tpu.memory_space<vmem>>) semaphore(%run_scoped3A : memref<!tpu.dma_semaphore, #tpu.memory_space<semaphore_mem>>) {add = true}
        %dma_wait3A_53 = tpu.memref_slice %arg8[%mul3A_34] : memref<10080xi32, #tpu.memory_space<vmem>> -> memref<112xi32, #tpu.memory_space<vmem>>
        %dma_wait3A_54 = arith.constant 0 : i32
        %dma_wait3A_55 = arith.constant 0 : i32
        %dma_wait3A_56 = tpu.memref_slice %arg11[%dma_wait3A_54, %dma_wait3A_55] : memref<10112x128xf32, #tpu.memory_space<vmem_shared>> -> memref<10112x128xf32, #tpu.memory_space<vmem_shared>>
        tpu.wait_indirect_dma semaphore(%run_scoped3A : memref<!tpu.dma_semaphore, #tpu.memory_space<semaphore_mem>>) src(%arg9 : memref<112x128xf32, #tpu.memory_space<vmem>>) dst(%dma_wait3A_56 : memref<10112x128xf32, #tpu.memory_space<vmem_shared>>)
        tpu.yield
      }) : () -> ()
      %lt3A = arith.constant 44 : i32
      %lt3A_35 = arith.cmpi slt, %scan3A_17, %lt3A : i32
      %convert_element_type3A = arith.extui %lt3A_35 : i1 to i32
      %cond3A = arith.constant 0 : i32
      %cond3A_36 = arith.cmpi ne, %convert_element_type3A, %cond3A : i32
      scf.if %cond3A_36 {
        %add3A_49 = arith.constant 2 : i32
        %add3A_50 = arith.addi %mul3A_19, %add3A_49 : i32
        %mul3A_51 = arith.constant 112 : i32
        %mul3A_52 = arith.muli %add3A_50, %mul3A_51 : i32
        %dma_start3A_53 = tpu.memref_slice %arg7[%mul3A_52] : memref<10080xi32, #tpu.memory_space<vmem>> -> memref<112xi32, #tpu.memory_space<vmem>>
        %dma_start3A_54 = arith.constant 0 : i32
        %dma_start3A_55 = arith.constant 0 : i32
        %dma_start3A_56 = tpu.memref_slice %arg2[%dma_start3A_54, %dma_start3A_55] : memref<10000x128xf32, #tpu.memory_space<hbm>> -> memref<10000x128xf32, #tpu.memory_space<hbm>>
        tpu.enqueue_indirect_dma source(%dma_start3A_56 : memref<10000x128xf32, #tpu.memory_space<hbm>>) target(%arg9 : memref<112x128xf32, #tpu.memory_space<vmem>>) offsets(%dma_start3A_53 : memref<112xi32, #tpu.memory_space<vmem>>) semaphore(%arg12 : memref<!tpu.dma_semaphore, #tpu.memory_space<semaphore_mem>>)
      } else {
      }
      %add3A_37 = arith.constant 1 : i32
      %add3A_38 = arith.addi %mul3A_19, %add3A_37 : i32
      %mul3A_39 = arith.constant 112 : i32
      %mul3A_40 = arith.muli %add3A_38, %mul3A_39 : i32
      %dma_wait3A_41 = tpu.memref_slice %arg7[%mul3A_40] : memref<10080xi32, #tpu.memory_space<vmem>> -> memref<112xi32, #tpu.memory_space<vmem>>
      %dma_wait3A_42 = arith.constant 0 : i32
      %dma_wait3A_43 = arith.constant 0 : i32
      %dma_wait3A_44 = tpu.memref_slice %arg2[%dma_wait3A_42, %dma_wait3A_43] : memref<10000x128xf32, #tpu.memory_space<hbm>> -> memref<10000x128xf32, #tpu.memory_space<hbm>>
      tpu.wait_indirect_dma semaphore(%arg13 : memref<!tpu.dma_semaphore, #tpu.memory_space<semaphore_mem>>) src(%dma_wait3A_44 : memref<10000x128xf32, #tpu.memory_space<hbm>>) dst(%arg10 : memref<112x128xf32, #tpu.memory_space<vmem>>)
      %add3A_45 = arith.constant 1 : i32
      %add3A_46 = arith.addi %mul3A_19, %add3A_45 : i32
      %mul3A_47 = arith.constant 112 : i32
      %mul3A_48 = arith.muli %add3A_46, %mul3A_47 : i32
      "tpu.region"() ({
        %run_scoped3A = tpu.sem_alloc : memref<!tpu.dma_semaphore, #tpu.memory_space<semaphore_mem>>
        %dma_start3A_49 = tpu.memref_slice %arg8[%mul3A_48] : memref<10080xi32, #tpu.memory_space<vmem>> -> memref<112xi32, #tpu.memory_space<vmem>>
        %dma_start3A_50 = arith.constant 0 : i32
        %dma_start3A_51 = arith.constant 0 : i32
        %dma_start3A_52 = tpu.memref_slice %arg11[%dma_start3A_50, %dma_start3A_51] : memref<10112x128xf32, #tpu.memory_space<vmem_shared>> -> memref<10112x128xf32, #tpu.memory_space<vmem_shared>>
        tpu.enqueue_indirect_dma source(%arg10 : memref<112x128xf32, #tpu.memory_space<vmem>>) target(%dma_start3A_52 : memref<10112x128xf32, #tpu.memory_space<vmem_shared>>) offsets(%dma_start3A_49 : memref<112xi32, #tpu.memory_space<vmem>>) semaphore(%run_scoped3A : memref<!tpu.dma_semaphore, #tpu.memory_space<semaphore_mem>>) {add = true}
        %dma_wait3A_53 = tpu.memref_slice %arg8[%mul3A_48] : memref<10080xi32, #tpu.memory_space<vmem>> -> memref<112xi32, #tpu.memory_space<vmem>>
        %dma_wait3A_54 = arith.constant 0 : i32
        %dma_wait3A_55 = arith.constant 0 : i32
        %dma_wait3A_56 = tpu.memref_slice %arg11[%dma_wait3A_54, %dma_wait3A_55] : memref<10112x128xf32, #tpu.memory_space<vmem_shared>> -> memref<10112x128xf32, #tpu.memory_space<vmem_shared>>
        tpu.wait_indirect_dma semaphore(%run_scoped3A : memref<!tpu.dma_semaphore, #tpu.memory_space<semaphore_mem>>) src(%arg10 : memref<112x128xf32, #tpu.memory_space<vmem>>) dst(%dma_wait3A_56 : memref<10112x128xf32, #tpu.memory_space<vmem_shared>>)
        tpu.yield
      }) : () -> ()
    }
    %scan3A_15 = arith.constant 45 : i32
    %barrier3A_16 = arith.constant 0 : index
    tpu.barrier barrier_id(%barrier3A_16)
    "tpu.region"() ({
      %run_scoped3A = tpu.sem_alloc : memref<!tpu.dma_semaphore, #tpu.memory_space<semaphore_mem>>
      %dma_start3A_17 = arith.constant 0 : i32
      %dma_start3A_18 = tpu.memref_slice %arg6[%arg0, %mul3A_2, %dma_start3A_17] : memref<2x10112x128xf32, #tpu.memory_space<hbm>> -> memref<1x632x128xf32, #tpu.memory_space<hbm>>
      %dma_start3A_19 = tpu.memref_squeeze %dma_start3A_18 : memref<1x632x128xf32, #tpu.memory_space<hbm>> -> memref<632x128xf32, #tpu.memory_space<hbm>>
      %dma_start3A_20 = arith.constant 0 : i32
      %dma_start3A_21 = tpu.memref_slice %arg11[%mul3A_2, %dma_start3A_20] : memref<10112x128xf32, #tpu.memory_space<vmem_shared>> -> memref<632x128xf32, #tpu.memory_space<vmem_shared>>
      tpu.enqueue_dma source(%dma_start3A_21 : memref<632x128xf32, #tpu.memory_space<vmem_shared>>) target(%dma_start3A_19 : memref<632x128xf32, #tpu.memory_space<hbm>>) target_semaphore(%run_scoped3A : memref<!tpu.dma_semaphore, #tpu.memory_space<semaphore_mem>>)
      %dma_wait3A = arith.constant 0 : i32
      %dma_wait3A_22 = tpu.memref_slice %arg6[%arg0, %mul3A_2, %dma_wait3A] : memref<2x10112x128xf32, #tpu.memory_space<hbm>> -> memref<1x632x128xf32, #tpu.memory_space<hbm>>
      %dma_wait3A_23 = tpu.memref_squeeze %dma_wait3A_22 : memref<1x632x128xf32, #tpu.memory_space<hbm>> -> memref<632x128xf32, #tpu.memory_space<hbm>>
      %dma_wait3A_24 = arith.constant 0 : i32
      %dma_wait3A_25 = tpu.memref_slice %arg11[%mul3A_2, %dma_wait3A_24] : memref<10112x128xf32, #tpu.memory_space<vmem_shared>> -> memref<632x128xf32, #tpu.memory_space<vmem_shared>>
      tpu.wait_dma2 semaphore(%run_scoped3A : memref<!tpu.dma_semaphore, #tpu.memory_space<semaphore_mem>>) src(%dma_wait3A_25 : memref<632x128xf32, #tpu.memory_space<vmem_shared>>) dst(%dma_wait3A_23 : memref<632x128xf32, #tpu.memory_space<hbm>>)
      tpu.yield
    }) : () -> ()
    return
  }
}

module attributes {stable_mosaic.version = 14 : i64} {
  func.func @_tc_first_body(%arg0: i32, %arg1: memref<1000x128xf32, #tpu.memory_space<vmem>>, %arg2: memref<128x128xf32, #tpu.memory_space<vmem>>, %arg3: memref<2x1000x128xf32, #tpu.memory_space<vmem>>, %arg4: memref<1000x128xf32, #tpu.memory_space<vmem>>, %arg5: memref<1000x1xf32, #tpu.memory_space<vmem>>) attributes {dimension_semantics = [#tpu.dimension_semantics<arbitrary>], iteration_bounds = array<i64: 10>, scalar_prefetch = 0 : i64, scratch_operands = 0 : i64, tpu.core_type = #tpu.core_type<tc>, window_params = [{transform_indices = @transform_0, window_bounds = array<i64: 1000, 128>}, {pipeline_mode = #tpu.pipeline_mode<synchronous>, transform_indices = @transform_1, window_bounds = array<i64: 128, 128>}, {transform_indices = @transform_2, window_bounds = array<i64: 2, 1000, 128>}, {transform_indices = @transform_3, window_bounds = array<i64: 1000, 128>}, {transform_indices = @transform_4, window_bounds = array<i64: 1000, 1>}]} {
    %get3A = arith.constant 0 : index
    %get3A_0 = arith.constant 0 : index
    %get3A_1 = vector.load %arg1[%get3A, %get3A_0] : memref<1000x128xf32, #tpu.memory_space<vmem>>, vector<1000x128xf32>
    %get3A_2 = arith.constant 0 : index
    %get3A_3 = arith.constant 0 : index
    %get3A_4 = vector.load %arg2[%get3A_2, %get3A_3] : memref<128x128xf32, #tpu.memory_space<vmem>>, vector<128x128xf32>
    %dot_general3A = arith.constant dense<0.000000e+00> : vector<1000x128xf32>
    %dot_general3A_5 = tpu.matmul %get3A_1, %get3A_4, %dot_general3A {dimension_numbers = #tpu.dot_dimension_numbers<[1], [0], [0], [1], [0, 0, 1, 1], [], []>, transpose_lhs_hint = false} : vector<1000x128xf32>, vector<128x128xf32>, vector<1000x128xf32> -> vector<1000x128xf32>
    %get3A_6 = arith.constant 0 : index
    %get3A_7 = arith.constant 0 : index
    %get3A_8 = arith.constant 0 : index
    %get3A_9 = vector.load %arg3[%get3A_6, %get3A_7, %get3A_8] : memref<2x1000x128xf32, #tpu.memory_space<vmem>>, vector<1x1000x1xf32>
    %get3A_10 = vector.shape_cast %get3A_9 : vector<1x1000x1xf32> to vector<1000x1xf32>
    %get3A_11 = arith.constant 1 : index
    %get3A_12 = arith.constant 0 : index
    %get3A_13 = arith.constant 0 : index
    %get3A_14 = vector.load %arg3[%get3A_11, %get3A_12, %get3A_13] : memref<2x1000x128xf32, #tpu.memory_space<vmem>>, vector<1x1000x1xf32>
    %get3A_15 = vector.shape_cast %get3A_14 : vector<1x1000x1xf32> to vector<1000x1xf32>
    %add3A = arith.constant 1.000000e+00 : f32
    %add3A_16 = vector.broadcast %add3A : f32 to vector<1000x1xf32>
    %add3A_17 = arith.addf %add3A_16, %get3A_10 : vector<1000x1xf32>
    %add3A_18 = arith.addf %add3A_17, %get3A_15 : vector<1000x1xf32>
    %rsqrt3A = math.rsqrt %add3A_18 : vector<1000x1xf32>
    %swap3A = arith.constant 0 : index
    %swap3A_19 = arith.constant 0 : index
    %swap3A_20 = vector.load %arg5[%swap3A, %swap3A_19] : memref<1000x1xf32, #tpu.memory_space<vmem>>, vector<1000x1xf32>
    tpu.vector_store %arg5[%swap3A, %swap3A_19], %rsqrt3A {strides = array<i32>} : memref<1000x1xf32, #tpu.memory_space<vmem>>, vector<1000x1xf32>,
    %mul3A = vector.broadcast %rsqrt3A : vector<1000x1xf32> to vector<1000x128xf32>
    %mul3A_21 = arith.mulf %dot_general3A_5, %mul3A : vector<1000x128xf32>
    %swap3A_22 = arith.constant 0 : index
    %swap3A_23 = arith.constant 0 : index
    %swap3A_24 = vector.load %arg4[%swap3A_22, %swap3A_23] : memref<1000x128xf32, #tpu.memory_space<vmem>>, vector<1000x128xf32>
    tpu.vector_store %arg4[%swap3A_22, %swap3A_23], %mul3A_21 {strides = array<i32>} : memref<1000x128xf32, #tpu.memory_space<vmem>>, vector<1000x128xf32>,
    return
  }
  func.func @transform_0(%arg0: i32) -> (i32, i32) {
    %c0_i32 = arith.constant 0 : i32
    %c0_i32_0 = arith.constant 0 : i32
    return %arg0, %c0_i32 : i32, i32
  }
  func.func @transform_1(%arg0: i32) -> (i32, i32) {
    %c0_i32 = arith.constant 0 : i32
    %c0_i32_0 = arith.constant 0 : i32
    %c0_i32_1 = arith.constant 0 : i32
    return %c0_i32, %c0_i32_0 : i32, i32
  }
  func.func @transform_2(%arg0: i32) -> (i32, i32, i32) {
    %c0_i32 = arith.constant 0 : i32
    %c0_i32_0 = arith.constant 0 : i32
    %c0_i32_1 = arith.constant 0 : i32
    return %c0_i32, %arg0, %c0_i32_0 : i32, i32, i32
  }
  func.func @transform_3(%arg0: i32) -> (i32, i32) {
    %c0_i32 = arith.constant 0 : i32
    %c0_i32_0 = arith.constant 0 : i32
    return %arg0, %c0_i32 : i32, i32
  }
  func.func @transform_4(%arg0: i32) -> (i32, i32) {
    %c0_i32 = arith.constant 0 : i32
    %c0_i32_0 = arith.constant 0 : i32
    return %arg0, %c0_i32 : i32, i32
  }
}

module attributes {stable_mosaic.version = 14 : i64} {
  func.func @_tc_epi_body(%arg0: i32, %arg1: memref<2x1000x128xf32, #tpu.memory_space<vmem>>, %arg2: memref<1000x128xf32, #tpu.memory_space<vmem>>, %arg3: memref<1000x1xf32, #tpu.memory_space<vmem>>, %arg4: memref<1x128xf32, #tpu.memory_space<vmem>>, %arg5: memref<1x128xf32, #tpu.memory_space<vmem>>, %arg6: memref<1x128xf32, #tpu.memory_space<vmem>>, %arg7: memref<128x128xf32, #tpu.memory_space<vmem>>, %arg8: memref<1000x128xf32, #tpu.memory_space<vmem>>) attributes {dimension_semantics = [#tpu.dimension_semantics<arbitrary>], iteration_bounds = array<i64: 10>, scalar_prefetch = 0 : i64, scratch_operands = 0 : i64, tpu.core_type = #tpu.core_type<tc>, window_params = [{transform_indices = @transform_0, window_bounds = array<i64: 2, 1000, 128>}, {transform_indices = @transform_1, window_bounds = array<i64: 1000, 128>}, {transform_indices = @transform_2, window_bounds = array<i64: 1000, 1>}, {pipeline_mode = #tpu.pipeline_mode<synchronous>, transform_indices = @transform_3, window_bounds = array<i64: 1, 128>}, {pipeline_mode = #tpu.pipeline_mode<synchronous>, transform_indices = @transform_4, window_bounds = array<i64: 1, 128>}, {pipeline_mode = #tpu.pipeline_mode<synchronous>, transform_indices = @transform_5, window_bounds = array<i64: 1, 128>}, {pipeline_mode = #tpu.pipeline_mode<synchronous>, transform_indices = @transform_6, window_bounds = array<i64: 128, 128>}, {transform_indices = @transform_7, window_bounds = array<i64: 1000, 128>}]} {
    %get3A = arith.constant 0 : index
    %get3A_0 = arith.constant 0 : index
    %get3A_1 = vector.load %arg3[%get3A, %get3A_0] : memref<1000x1xf32, #tpu.memory_space<vmem>>, vector<1000x1xf32>
    %get3A_2 = arith.constant 0 : index
    %get3A_3 = arith.constant 0 : index
    %get3A_4 = arith.constant 0 : index
    %get3A_5 = vector.load %arg1[%get3A_2, %get3A_3, %get3A_4] : memref<2x1000x128xf32, #tpu.memory_space<vmem>>, vector<1x1000x128xf32>
    %get3A_6 = vector.shape_cast %get3A_5 : vector<1x1000x128xf32> to vector<1000x128xf32>
    %get3A_7 = arith.constant 1 : index
    %get3A_8 = arith.constant 0 : index
    %get3A_9 = arith.constant 0 : index
    %get3A_10 = vector.load %arg1[%get3A_7, %get3A_8, %get3A_9] : memref<2x1000x128xf32, #tpu.memory_space<vmem>>, vector<1x1000x128xf32>
    %get3A_11 = vector.shape_cast %get3A_10 : vector<1x1000x128xf32> to vector<1000x128xf32>
    %add3A = arith.addf %get3A_6, %get3A_11 : vector<1000x128xf32>
    %get3A_12 = arith.constant 0 : index
    %get3A_13 = arith.constant 0 : index
    %get3A_14 = vector.load %arg2[%get3A_12, %get3A_13] : memref<1000x128xf32, #tpu.memory_space<vmem>>, vector<1000x128xf32>
    %add3A_15 = arith.addf %add3A, %get3A_14 : vector<1000x128xf32>
    %mul3A = vector.broadcast %get3A_1 : vector<1000x1xf32> to vector<1000x128xf32>
    %mul3A_16 = arith.mulf %mul3A, %add3A_15 : vector<1000x128xf32>
    %get3A_17 = arith.constant 0 : index
    %get3A_18 = arith.constant 0 : index
    %get3A_19 = vector.load %arg4[%get3A_17, %get3A_18] : memref<1x128xf32, #tpu.memory_space<vmem>>, vector<1x128xf32>
    %add3A_20 = vector.broadcast %get3A_19 : vector<1x128xf32> to vector<1000x128xf32>
    %add3A_21 = arith.addf %mul3A_16, %add3A_20 : vector<1000x128xf32>
    %max3A = arith.constant 0.000000e+00 : f32
    %max3A_22 = vector.broadcast %max3A : f32 to vector<1000x128xf32>
    %max3A_23 = arith.maximumf %add3A_21, %max3A_22 : vector<1000x128xf32>
    %reduce_sum3A = arith.constant dense<0.000000e+00> : vector<1000xf32>
    %reduce_sum3A_24 = vector.multi_reduction <add>, %max3A_23, %reduce_sum3A [1] : vector<1000x128xf32> to vector<1000xf32>
    %broadcast_in_dim3A = vector.shape_cast %reduce_sum3A_24 : vector<1000xf32> to vector<1000x1xf32>
    %div3A = arith.constant 1.280000e+02 : f32
    %div3A_25 = vector.broadcast %div3A : f32 to vector<1000x1xf32>
    %div3A_26 = arith.divf %broadcast_in_dim3A, %div3A_25 : vector<1000x1xf32>
    %sub3A = vector.broadcast %div3A_26 : vector<1000x1xf32> to vector<1000x128xf32>
    %sub3A_27 = arith.subf %max3A_23, %sub3A : vector<1000x128xf32>
    %mul3A_28 = arith.mulf %sub3A_27, %sub3A_27 : vector<1000x128xf32>
    %reduce_sum3A_29 = arith.constant dense<0.000000e+00> : vector<1000xf32>
    %reduce_sum3A_30 = vector.multi_reduction <add>, %mul3A_28, %reduce_sum3A_29 [1] : vector<1000x128xf32> to vector<1000xf32>
    %broadcast_in_dim3A_31 = vector.shape_cast %reduce_sum3A_30 : vector<1000xf32> to vector<1000x1xf32>
    %div3A_32 = arith.constant 1.280000e+02 : f32
    %div3A_33 = vector.broadcast %div3A_32 : f32 to vector<1000x1xf32>
    %div3A_34 = arith.divf %broadcast_in_dim3A_31, %div3A_33 : vector<1000x1xf32>
    %add3A_35 = arith.constant 9.99999974E-6 : f32
    %add3A_36 = vector.broadcast %add3A_35 : f32 to vector<1000x1xf32>
    %add3A_37 = arith.addf %div3A_34, %add3A_36 : vector<1000x1xf32>
    %rsqrt3A = math.rsqrt %add3A_37 : vector<1000x1xf32>
    %mul3A_38 = vector.broadcast %rsqrt3A : vector<1000x1xf32> to vector<1000x128xf32>
    %mul3A_39 = arith.mulf %sub3A_27, %mul3A_38 : vector<1000x128xf32>
    %get3A_40 = arith.constant 0 : index
    %get3A_41 = arith.constant 0 : index
    %get3A_42 = vector.load %arg5[%get3A_40, %get3A_41] : memref<1x128xf32, #tpu.memory_space<vmem>>, vector<1x128xf32>
    %mul3A_43 = vector.broadcast %get3A_42 : vector<1x128xf32> to vector<1000x128xf32>
    %mul3A_44 = arith.mulf %mul3A_39, %mul3A_43 : vector<1000x128xf32>
    %get3A_45 = arith.constant 0 : index
    %get3A_46 = arith.constant 0 : index
    %get3A_47 = vector.load %arg6[%get3A_45, %get3A_46] : memref<1x128xf32, #tpu.memory_space<vmem>>, vector<1x128xf32>
    %add3A_48 = vector.broadcast %get3A_47 : vector<1x128xf32> to vector<1000x128xf32>
    %add3A_49 = arith.addf %mul3A_44, %add3A_48 : vector<1000x128xf32>
    %get3A_50 = arith.constant 0 : index
    %get3A_51 = arith.constant 0 : index
    %get3A_52 = vector.load %arg7[%get3A_50, %get3A_51] : memref<128x128xf32, #tpu.memory_space<vmem>>, vector<128x128xf32>
    %dot_general3A = arith.constant dense<0.000000e+00> : vector<1000x128xf32>
    %dot_general3A_53 = tpu.matmul %add3A_49, %get3A_52, %dot_general3A {dimension_numbers = #tpu.dot_dimension_numbers<[1], [0], [0], [1], [0, 0, 1, 1], [], []>, transpose_lhs_hint = false} : vector<1000x128xf32>, vector<128x128xf32>, vector<1000x128xf32> -> vector<1000x128xf32>
    %mul3A_54 = vector.broadcast %get3A_1 : vector<1000x1xf32> to vector<1000x128xf32>
    %mul3A_55 = arith.mulf %dot_general3A_53, %mul3A_54 : vector<1000x128xf32>
    %swap3A = arith.constant 0 : index
    %swap3A_56 = arith.constant 0 : index
    %swap3A_57 = vector.load %arg8[%swap3A, %swap3A_56] : memref<1000x128xf32, #tpu.memory_space<vmem>>, vector<1000x128xf32>
    tpu.vector_store %arg8[%swap3A, %swap3A_56], %mul3A_55 {strides = array<i32>} : memref<1000x128xf32, #tpu.memory_space<vmem>>, vector<1000x128xf32>,
    return
  }
  func.func @transform_0(%arg0: i32) -> (i32, i32, i32) {
    %c0_i32 = arith.constant 0 : i32
    %c0_i32_0 = arith.constant 0 : i32
    %c0_i32_1 = arith.constant 0 : i32
    return %c0_i32, %arg0, %c0_i32_0 : i32, i32, i32
  }
  func.func @transform_1(%arg0: i32) -> (i32, i32) {
    %c0_i32 = arith.constant 0 : i32
    %c0_i32_0 = arith.constant 0 : i32
    return %arg0, %c0_i32 : i32, i32
  }
  func.func @transform_2(%arg0: i32) -> (i32, i32) {
    %c0_i32 = arith.constant 0 : i32
    %c0_i32_0 = arith.constant 0 : i32
    return %arg0, %c0_i32 : i32, i32
  }
  func.func @transform_3(%arg0: i32) -> (i32, i32) {
    %c0_i32 = arith.constant 0 : i32
    %c0_i32_0 = arith.constant 0 : i32
    %c0_i32_1 = arith.constant 0 : i32
    return %c0_i32, %c0_i32_0 : i32, i32
  }
  func.func @transform_4(%arg0: i32) -> (i32, i32) {
    %c0_i32 = arith.constant 0 : i32
    %c0_i32_0 = arith.constant 0 : i32
    %c0_i32_1 = arith.constant 0 : i32
    return %c0_i32, %c0_i32_0 : i32, i32
  }
  func.func @transform_5(%arg0: i32) -> (i32, i32) {
    %c0_i32 = arith.constant 0 : i32
    %c0_i32_0 = arith.constant 0 : i32
    %c0_i32_1 = arith.constant 0 : i32
    return %c0_i32, %c0_i32_0 : i32, i32
  }
  func.func @transform_6(%arg0: i32) -> (i32, i32) {
    %c0_i32 = arith.constant 0 : i32
    %c0_i32_0 = arith.constant 0 : i32
    %c0_i32_1 = arith.constant 0 : i32
    return %c0_i32, %c0_i32_0 : i32, i32
  }
  func.func @transform_7(%arg0: i32) -> (i32, i32) {
    %c0_i32 = arith.constant 0 : i32
    %c0_i32_0 = arith.constant 0 : i32
    return %arg0, %c0_i32 : i32, i32
  }
}

module attributes {stable_mosaic.version = 14 : i64} {
  func.func @_tc_final_body(%arg0: i32, %arg1: memref<2x1000x128xf32, #tpu.memory_space<vmem>>, %arg2: memref<1000x128xf32, #tpu.memory_space<vmem>>, %arg3: memref<1000x1xf32, #tpu.memory_space<vmem>>, %arg4: memref<1x128xf32, #tpu.memory_space<vmem>>, %arg5: memref<128x128xf32, #tpu.memory_space<vmem>>, %arg6: memref<1x128xf32, #tpu.memory_space<vmem>>, %arg7: memref<128x64xf32, #tpu.memory_space<vmem>>, %arg8: memref<1x64xf32, #tpu.memory_space<vmem>>, %arg9: memref<1000x128xf32, #tpu.memory_space<vmem>>, %arg10: memref<1000x64xf32, #tpu.memory_space<vmem>>) attributes {dimension_semantics = [#tpu.dimension_semantics<arbitrary>], iteration_bounds = array<i64: 10>, scalar_prefetch = 0 : i64, scratch_operands = 0 : i64, tpu.core_type = #tpu.core_type<tc>, window_params = [{transform_indices = @transform_0, window_bounds = array<i64: 2, 1000, 128>}, {transform_indices = @transform_1, window_bounds = array<i64: 1000, 128>}, {transform_indices = @transform_2, window_bounds = array<i64: 1000, 1>}, {pipeline_mode = #tpu.pipeline_mode<synchronous>, transform_indices = @transform_3, window_bounds = array<i64: 1, 128>}, {pipeline_mode = #tpu.pipeline_mode<synchronous>, transform_indices = @transform_4, window_bounds = array<i64: 128, 128>}, {pipeline_mode = #tpu.pipeline_mode<synchronous>, transform_indices = @transform_5, window_bounds = array<i64: 1, 128>}, {pipeline_mode = #tpu.pipeline_mode<synchronous>, transform_indices = @transform_6, window_bounds = array<i64: 128, 64>}, {pipeline_mode = #tpu.pipeline_mode<synchronous>, transform_indices = @transform_7, window_bounds = array<i64: 1, 64>}, {transform_indices = @transform_8, window_bounds = array<i64: 1000, 128>}, {transform_indices = @transform_9, window_bounds = array<i64: 1000, 64>}]} {
    %get3A = arith.constant 0 : index
    %get3A_0 = arith.constant 0 : index
    %get3A_1 = vector.load %arg3[%get3A, %get3A_0] : memref<1000x1xf32, #tpu.memory_space<vmem>>, vector<1000x1xf32>
    %get3A_2 = arith.constant 0 : index
    %get3A_3 = arith.constant 0 : index
    %get3A_4 = arith.constant 0 : index
    %get3A_5 = vector.load %arg1[%get3A_2, %get3A_3, %get3A_4] : memref<2x1000x128xf32, #tpu.memory_space<vmem>>, vector<1x1000x128xf32>
    %get3A_6 = vector.shape_cast %get3A_5 : vector<1x1000x128xf32> to vector<1000x128xf32>
    %get3A_7 = arith.constant 1 : index
    %get3A_8 = arith.constant 0 : index
    %get3A_9 = arith.constant 0 : index
    %get3A_10 = vector.load %arg1[%get3A_7, %get3A_8, %get3A_9] : memref<2x1000x128xf32, #tpu.memory_space<vmem>>, vector<1x1000x128xf32>
    %get3A_11 = vector.shape_cast %get3A_10 : vector<1x1000x128xf32> to vector<1000x128xf32>
    %add3A = arith.addf %get3A_6, %get3A_11 : vector<1000x128xf32>
    %get3A_12 = arith.constant 0 : index
    %get3A_13 = arith.constant 0 : index
    %get3A_14 = vector.load %arg2[%get3A_12, %get3A_13] : memref<1000x128xf32, #tpu.memory_space<vmem>>, vector<1000x128xf32>
    %add3A_15 = arith.addf %add3A, %get3A_14 : vector<1000x128xf32>
    %mul3A = vector.broadcast %get3A_1 : vector<1000x1xf32> to vector<1000x128xf32>
    %mul3A_16 = arith.mulf %mul3A, %add3A_15 : vector<1000x128xf32>
    %get3A_17 = arith.constant 0 : index
    %get3A_18 = arith.constant 0 : index
    %get3A_19 = vector.load %arg4[%get3A_17, %get3A_18] : memref<1x128xf32, #tpu.memory_space<vmem>>, vector<1x128xf32>
    %add3A_20 = vector.broadcast %get3A_19 : vector<1x128xf32> to vector<1000x128xf32>
    %add3A_21 = arith.addf %mul3A_16, %add3A_20 : vector<1000x128xf32>
    %swap3A = arith.constant 0 : index
    %swap3A_22 = arith.constant 0 : index
    %swap3A_23 = vector.load %arg9[%swap3A, %swap3A_22] : memref<1000x128xf32, #tpu.memory_space<vmem>>, vector<1000x128xf32>
    tpu.vector_store %arg9[%swap3A, %swap3A_22], %add3A_21 {strides = array<i32>} : memref<1000x128xf32, #tpu.memory_space<vmem>>, vector<1000x128xf32>,
    %max3A = arith.constant 0.000000e+00 : f32
    %max3A_24 = vector.broadcast %max3A : f32 to vector<1000x128xf32>
    %max3A_25 = arith.maximumf %add3A_21, %max3A_24 : vector<1000x128xf32>
    %get3A_26 = arith.constant 0 : index
    %get3A_27 = arith.constant 0 : index
    %get3A_28 = vector.load %arg5[%get3A_26, %get3A_27] : memref<128x128xf32, #tpu.memory_space<vmem>>, vector<128x128xf32>
    %dot_general3A = arith.constant dense<0.000000e+00> : vector<1000x128xf32>
    %dot_general3A_29 = tpu.matmul %max3A_25, %get3A_28, %dot_general3A {dimension_numbers = #tpu.dot_dimension_numbers<[1], [0], [0], [1], [0, 0, 1, 1], [], []>, transpose_lhs_hint = false} : vector<1000x128xf32>, vector<128x128xf32>, vector<1000x128xf32> -> vector<1000x128xf32>
    %get3A_30 = arith.constant 0 : index
    %get3A_31 = arith.constant 0 : index
    %get3A_32 = vector.load %arg6[%get3A_30, %get3A_31] : memref<1x128xf32, #tpu.memory_space<vmem>>, vector<1x128xf32>
    %add3A_33 = vector.broadcast %get3A_32 : vector<1x128xf32> to vector<1000x128xf32>
    %add3A_34 = arith.addf %dot_general3A_29, %add3A_33 : vector<1000x128xf32>
    %get3A_35 = arith.constant 0 : index
    %get3A_36 = arith.constant 0 : index
    %get3A_37 = vector.load %arg7[%get3A_35, %get3A_36] : memref<128x64xf32, #tpu.memory_space<vmem>>, vector<128x64xf32>
    %dot_general3A_38 = arith.constant dense<0.000000e+00> : vector<1000x64xf32>
    %dot_general3A_39 = tpu.matmul %add3A_34, %get3A_37, %dot_general3A_38 {dimension_numbers = #tpu.dot_dimension_numbers<[1], [0], [0], [1], [0, 0, 1, 1], [], []>, transpose_lhs_hint = false} : vector<1000x128xf32>, vector<128x64xf32>, vector<1000x64xf32> -> vector<1000x64xf32>
    %get3A_40 = arith.constant 0 : index
    %get3A_41 = arith.constant 0 : index
    %get3A_42 = vector.load %arg8[%get3A_40, %get3A_41] : memref<1x64xf32, #tpu.memory_space<vmem>>, vector<1x64xf32>
    %add3A_43 = vector.broadcast %get3A_42 : vector<1x64xf32> to vector<1000x64xf32>
    %add3A_44 = arith.addf %dot_general3A_39, %add3A_43 : vector<1000x64xf32>
    %reduce_max3A = arith.constant dense<0xFF800000> : vector<1000xf32>
    %reduce_max3A_45 = vector.multi_reduction <maximumf>, %add3A_44, %reduce_max3A [1] : vector<1000x64xf32> to vector<1000xf32>
    %broadcast_in_dim3A = vector.shape_cast %reduce_max3A_45 : vector<1000xf32> to vector<1000x1xf32>
    %sub3A = vector.broadcast %broadcast_in_dim3A : vector<1000x1xf32> to vector<1000x64xf32>
    %sub3A_46 = arith.subf %add3A_44, %sub3A : vector<1000x64xf32>
    %exp3A = math.exp %sub3A_46 : vector<1000x64xf32>
    %reduce_sum3A = arith.constant dense<0.000000e+00> : vector<1000xf32>
    %reduce_sum3A_47 = vector.multi_reduction <add>, %exp3A, %reduce_sum3A [1] : vector<1000x64xf32> to vector<1000xf32>
    %broadcast_in_dim3A_48 = vector.shape_cast %reduce_sum3A_47 : vector<1000xf32> to vector<1000x1xf32>
    %log3A = math.log %broadcast_in_dim3A_48 : vector<1000x1xf32>
    %add3A_49 = arith.addf %log3A, %broadcast_in_dim3A : vector<1000x1xf32>
    %sub3A_50 = vector.broadcast %add3A_49 : vector<1000x1xf32> to vector<1000x64xf32>
    %sub3A_51 = arith.subf %add3A_44, %sub3A_50 : vector<1000x64xf32>
    %swap3A_52 = arith.constant 0 : index
    %swap3A_53 = arith.constant 0 : index
    %swap3A_54 = vector.load %arg10[%swap3A_52, %swap3A_53] : memref<1000x64xf32, #tpu.memory_space<vmem>>, vector<1000x64xf32>
    tpu.vector_store %arg10[%swap3A_52, %swap3A_53], %sub3A_51 {strides = array<i32>} : memref<1000x64xf32, #tpu.memory_space<vmem>>, vector<1000x64xf32>,
    return
  }
  func.func @transform_0(%arg0: i32) -> (i32, i32, i32) {
    %c0_i32 = arith.constant 0 : i32
    %c0_i32_0 = arith.constant 0 : i32
    %c0_i32_1 = arith.constant 0 : i32
    return %c0_i32, %arg0, %c0_i32_0 : i32, i32, i32
  }
  func.func @transform_1(%arg0: i32) -> (i32, i32) {
    %c0_i32 = arith.constant 0 : i32
    %c0_i32_0 = arith.constant 0 : i32
    return %arg0, %c0_i32 : i32, i32
  }
  func.func @transform_2(%arg0: i32) -> (i32, i32) {
    %c0_i32 = arith.constant 0 : i32
    %c0_i32_0 = arith.constant 0 : i32
    return %arg0, %c0_i32 : i32, i32
  }
  func.func @transform_3(%arg0: i32) -> (i32, i32) {
    %c0_i32 = arith.constant 0 : i32
    %c0_i32_0 = arith.constant 0 : i32
    %c0_i32_1 = arith.constant 0 : i32
    return %c0_i32, %c0_i32_0 : i32, i32
  }
  func.func @transform_4(%arg0: i32) -> (i32, i32) {
    %c0_i32 = arith.constant 0 : i32
    %c0_i32_0 = arith.constant 0 : i32
    %c0_i32_1 = arith.constant 0 : i32
    return %c0_i32, %c0_i32_0 : i32, i32
  }
  func.func @transform_5(%arg0: i32) -> (i32, i32) {
    %c0_i32 = arith.constant 0 : i32
    %c0_i32_0 = arith.constant 0 : i32
    %c0_i32_1 = arith.constant 0 : i32
    return %c0_i32, %c0_i32_0 : i32, i32
  }
  func.func @transform_6(%arg0: i32) -> (i32, i32) {
    %c0_i32 = arith.constant 0 : i32
    %c0_i32_0 = arith.constant 0 : i32
    %c0_i32_1 = arith.constant 0 : i32
    return %c0_i32, %c0_i32_0 : i32, i32
  }
  func.func @transform_7(%arg0: i32) -> (i32, i32) {
    %c0_i32 = arith.constant 0 : i32
    %c0_i32_0 = arith.constant 0 : i32
    %c0_i32_1 = arith.constant 0 : i32
    return %c0_i32, %c0_i32_0 : i32, i32
  }
  func.func @transform_8(%arg0: i32) -> (i32, i32) {
    %c0_i32 = arith.constant 0 : i32
    %c0_i32_0 = arith.constant 0 : i32
    return %arg0, %c0_i32 : i32, i32
  }
  func.func @transform_9(%arg0: i32) -> (i32, i32) {
    %c0_i32 = arith.constant 0 : i32
    %c0_i32_0 = arith.constant 0 : i32
    return %arg0, %c0_i32 : i32, i32
  }
}

</mosaic_0001>

<sc_bundles>
// kernel: kernel.10.cloned.1.call-start
scs
__scs_entry_jumppad:
0x0: {  	(pc) =	sbr.rel $0x88, $3  }
0x1: {  	(tag) =	ssettag $0x0;
	lr =	simm.s32 $0x1  }
0x2: {  	[smem:$0x3F91] =	sst lr;
	_ =	strace $0xD0000000  }
0x3: {  	_ = 	snop  }
0x4: {  	_ = 	snop  }
0x5: {  	_ = 	snop  }
0x6: {  	_ = 	snop  }
0x7: {  	_ = 	snop  }
__scs_overlays_trampoline_lowered:
0x8: {  	[smem:$0x3FA0] =	sst s0  }
0x9: {  	[smem:$0x3FA1] =	sst s1  }
0xa: {  	[smem:$0x3FA2] =	sst s2  }
0xb: {  	[smem:$0x3FA3] =	sst s3  }
0xc: {  	[smem:$0x3FA4] =	sst s4  }
0xd: {  	[smem:$0x3FA5] =	sst s5  }
0xe: {  	[smem:$0x3FA6] =	sst s6  }
0xf: {  	[smem:$0x3FA7] =	sst s7  }
0x10: {  	[smem:$0x3FA8] =	sst s8  }
0x11: {  	[smem:$0x3FA9] =	sst s9;
	s0 =	simm.s32 @!p0 $0x0  }
0x12: {  	s1 =	sld [smem:$0x3F8F];
	s0 =	simm.s32 @p0 $0x1  }
0x13: {  	[smem:$0x3FAA] =	sst s0;
	s0 =	simm.s32 @!p1 $0x0  }
0x14: {  	s2 =	sld [smem:$0x3F8E];
	s0 =	simm.s32 @p1 $0x1  }
0x15: {  	[smem:$0x3FAB] =	sst s0;
	s0 =	simm.s32 @!p2 $0x0  }
0x16: {  	s3 =	sld [smem:$0x3FDB];
	s0 =	simm.s32 @p2 $0x1  }
0x17: {  	s4 =	simm.s32 $0x1BF5;
	[smem:$0x3FAD] =	sst s0  }
0x18: {  	s0 =	sld [smem:$0x3F90];
	_ =	swait.ge [sflag:s4], $0x0  }
0x19: {  	s7 =	sld [smem:$0x3F91]  }
0x1a: {  	s8 =	sadd.s32 $0xFFFFE003, lr  }
0x1b: {  	s9 =	sadd.s32 $0xFFFFFEF7, lr;
	s5 =	simm.s32 $0xFFFFFFFF;
	p2 =	slt.u32 s8, $0xFFFFF086  }
0x1c: {  	p1 =	slt.u32 s9, $0xF7A;
	s5 =	simm.s32 @!p2 $0x0  }
0x1d: {  	s5 =	simm.s32 @p1 $0x1;
	p0 =	seq.s32 s7, s2  }
0x1e: {  	s7 =	smul.u32 @!p0 $0xF7A, s2;
	p2 =	seq.s32 @!p0 s5, $0x0  }
0x1f: {  	s9 =	smul.u32 $0xF7A, s1;
	s8 =	simm.s32 @!p0 $0x1BF5;
	p2 =	por !p2, p0  }
0x20: {  	[sflag:s8] =	ssyncset.s32 @!p0 $0xFFFFF086;
	s6 =	sadd.s32 @!p0 s3, s7;
	s7 =	simm.s32 @!p0 $0x108  }
0x21: {  	s3 =	sadd.s32 s3, s9;
	s6 =	sadd.s32 @!p0 $0x88, s6;
	s7 =	simm.s32 @p2 $0x1082  }
0x22: {  	[simem:s7], [sflag:s8] =	dma.local @!p0 [hbm:s6], $0xF7A  }
0x23: {  	s9 =	sor.u32 $0xD0000000, s2;
	s6 =	simm.s32 $0x108;
	_ =	swait.ge @!p0 [sflag:s8], $0x0  }
0x24: {  	s3 =	sadd.s32 $0x88, s3;
	s6 =	simm.s32 @!p1 $0x1082;
	[sflag:s4] =	ssyncset.s32 $0xFFFFF086  }
0x25: {  	[simem:s6], [sflag:s4] =	dma.local [hbm:s3], $0xF7A  }
0x26: {  	[smem:$0x3F91] =	sst s1;
	(tag) =	ssettag s2;
	_ =	strace s9  }
0x27: {  	s1 =	sld [smem:$0x3FA1]  }
0x28: {  	s2 =	sld [smem:$0x3FA2]  }
0x29: {  	s4 =	sld [smem:$0x3FA4]  }
0x2a: {  	p0 =	seq.s32 s5, $0x0;
	s5 =	sld [smem:$0x3FA5]  }
0x2b: {  	s6 =	sld [smem:$0x3FA6]  }
0x2c: {  	s7 =	sld [smem:$0x3FA7]  }
0x2d: {  	s3 =	simm.s32 $0x108;
	s8 =	sld [smem:$0x3FA8]  }
0x2e: {  	s3 =	simm.s32 @!p0 $0x1082;
	s9 =	sld [smem:$0x3FA9]  }
0x2f: {  	lr =	sadd.s32 s0, s3;
	s0 =	sld [smem:$0x3FA0]  }
0x30: {  	s3 =	sld [smem:$0x3FA3]  }
0x31: {  	[smem:$0x3FAC] =	sst s10  }
0x32: {  	s10 =	sld [smem:$0x3FAA];
	_ =	sdelay $0x3  }
0x33: {  	p0 =	seq.s32 s10, $0x1;
	s10 =	sld [smem:$0x3FAC];
	_ =	sdelay $0x3  }
0x34: {  	[smem:$0x3FAC] =	sst s10  }
0x35: {  	s10 =	sld [smem:$0x3FAB];
	_ =	sdelay $0x3  }
0x36: {  	p1 =	seq.s32 s10, $0x1;
	s10 =	sld [smem:$0x3FAC];
	_ =	sdelay $0x3  }
0x37: {  	[smem:$0x3FAC] =	sst s10  }
0x38: {  	s10 =	sld [smem:$0x3FAD]  }
0x39: {  	_ = 	snop;
	(pc) =	sbr.ind lr, $3  }
0x3a: {  	_ = 	snop  }
0x3b: {  	_ = 	snop  }
0x3c: {  	p2 =	seq.s32 s10, $0x1;
	s10 =	sld [smem:$0x3FAC]  }
0x3d: {  	_ =	shalt  }
0x3e: {  	_ =	shalt  }
0x3f: {  	_ =	shalt  }
0x40: {  	_ =	shalt  }
0x41: {  	_ =	shalt  }
0x42: {  	_ =	shalt  }
0x43: {  	_ =	shalt  }
0x44: {  	_ =	shalt  }
0x45: {  	_ =	shalt  }
0x46: {  	_ =	shalt  }
0x47: {  	_ =	shalt  }
0x48: {  	_ =	shalt  }
0x49: {  	_ =	shalt  }
0x4a: {  	_ =	shalt  }
0x4b: {  	_ =	shalt  }
0x4c: {  	_ =	shalt  }
0x4d: {  	_ =	shalt  }
0x4e: {  	_ =	shalt  }
0x4f: {  	_ =	shalt  }
0x50: {  	_ =	shalt  }
0x51: {  	_ =	shalt  }
0x52: {  	_ =	shalt  }
0x53: {  	_ =	shalt  }
0x54: {  	_ =	shalt  }
0x55: {  	_ =	shalt  }
0x56: {  	_ =	shalt  }
0x57: {  	_ =	shalt  }
0x58: {  	_ =	shalt  }
0x59: {  	_ =	shalt  }
0x5a: {  	_ =	shalt  }
0x5b: {  	_ =	shalt  }
0x5c: {  	_ =	shalt  }
0x5d: {  	_ =	shalt  }
0x5e: {  	_ =	shalt  }
0x5f: {  	_ =	shalt  }
0x60: {  	_ =	shalt  }
0x61: {  	_ =	shalt  }
0x62: {  	_ =	shalt  }
0x63: {  	_ =	shalt  }
0x64: {  	_ =	shalt  }
0x65: {  	_ =	shalt  }
0x66: {  	_ =	shalt  }
0x67: {  	_ =	shalt  }
0x68: {  	_ =	shalt  }
0x69: {  	_ =	shalt  }
0x6a: {  	_ =	shalt  }
0x6b: {  	_ =	shalt  }
0x6c: {  	_ =	shalt  }
0x6d: {  	_ =	shalt  }
0x6e: {  	_ =	shalt  }
0x6f: {  	_ =	shalt  }
0x70: {  	_ =	shalt  }
0x71: {  	_ =	shalt  }
0x72: {  	_ =	shalt  }
0x73: {  	_ =	shalt  }
0x74: {  	_ =	shalt  }
0x75: {  	_ =	shalt  }
0x76: {  	_ =	shalt  }
0x77: {  	_ =	shalt  }
0x78: {  	_ =	shalt  }
0x79: {  	_ =	shalt  }
0x7a: {  	_ =	shalt  }
0x7b: {  	_ =	shalt  }
0x7c: {  	_ =	shalt  }
0x7d: {  	_ =	shalt  }
0x7e: {  	_ =	shalt  }
0x7f: {  	_ =	shalt  }
0x80: {  	_ =	shalt  }
0x81: {  	_ =	shalt  }
0x82: {  	_ =	shalt  }
0x83: {  	_ =	shalt  }
0x84: {  	_ =	shalt  }
0x85: {  	_ =	shalt  }
0x86: {  	_ =	shalt  }
0x87: {  	_ =	shalt  }
.Lfunc_end0:
.L_simem_size_0:
called_computation_lowered:
.L_overlay_start_0:
0x88: {  	s2 =	sld [smem:$0x3FD9]  }
0x89: {  	s3 =	sld [smem:$0x3FFE];
	_ =	sdelay $0x1  }
0x8a: {  	s1 =	srdreg.scid  }
0x8b: {  	s0 =	sand.u32 $0x1, s1  }
0x8c: {  	s14 =	sshll.u32 s0, $0xA;
	s2 =	sadd.s32 s3, s2  }
0x8d: {  	s2 =	sadd.s32 s2, s14  }
0x8e: {  	[smem:$0x3FB8] =	sst s2  }
0x8f: {  	_ = 	snop  }
0x90: {  	s2 =	sld [smem:$0x3FD0];
	_ =	sdelay $0x2  }
0x91: {  	s15 =	simm.s32 $0xA;
	s4 =	simm.s32 $0x10  }
0x92: {  	[smem:s4], [sflag:s15] =	dma.local [hbm:s2], $0x1  }
0x93: {  	_ =	swait.eq [sflag:s15], $0x1  }
0x94: {  	[sflag:s15] =	ssyncset.done $0x0  }
0x95: {  	s16 =	sld [smem:$0x10];
	[sflag:s15] =	ssyncadd.s32 $0xFFFFFFFF  }
0x96: {  	s17 =	sld [smem:$0x11];
	(tm) =	ssettm $0x1  }
0x97: {  	s18 =	sld [smem:$0x3FFB];
	_ =	sdelay $0x3  }
0x98: {  	_ =	strace s18  }
0x99: {  	s4 =	sld [smem:$0x3FFC];
	_ =	sdelay $0x3  }
0x9a: {  	_ =	strace s4  }
0x9b: {  	s4 =	sld [smem:$0x3FFD];
	_ =	sdelay $0x3  }
0x9c: {  	_ =	strace s4  }
0x9d: {  	_ =	strace $0x8FFFFFFF  }
0x9e: {  	s19 =	sld [smem:$0x3FDB];
	_ =	sdelay $0x1  }
0x9f: {  	s5 =	simm.s32 $_scs_section_size  }
0xa0: {  	s6 =	simm.s32 $_size__tile_overlayer_lowered;
	s7 =	simm.s32 $_tile_overlayer_lowered  }
0xa1: {  	s22 =	simm.s32 $0x1BFF;
	s21 =	sshll.u32 s7, $0x1;
	s4 =	sadd.s32 s5, s19  }
0xa2: {  	s8 =	simm.s32 $0x0;
	s20 =	sshll.u32 s6, $0x1;
	s6 =	sadd.s32 s21, s4  }
0xa3: {  	[timem:s8], [sflag:s22] =	dma.local [hbm:s6], s20  }
0xa4: {  	_ =	swait.ge [sflag:s22], s20  }
0xa5: {  	s5 =	ssub.s32 $0x0, s20;
	[sflag:s22] =	ssyncset.done $0x0  }
0xa6: {  	[sflag:s22] =	ssyncadd.s32 s5;
	_ =	sdelay $0x1  }
0xa7: {  	s23 =	simm.s32 $0x1B8B  }
0xa8: {  	_ =	swait.ge [sflag:s23], $0x1  }
0xa9: {  	[sflag:s23] =	ssyncset.done $0x0  }
0xaa: {  	s25 =	simm.s32 $0x1B8E;
	s24 =	sld [smem:$0x3FFE];
	[sflag:s23] =	ssyncadd.s32 $0xFFFFFFFF  }
0xab: {  	s26 =	simm.s32 $execute0_lowered;
	[smem:$0x3FD2] =	sst s25  }
0xac: {  	s6 =	sshll.u32 s26, $0x1;
	_ =	strace $0x80000046;
	[dreg:$0x1] =	wrdreg $0xFFFFFFFF  }
0xad: {  	s28 =	simm.s32 $_size_execute0_lowered;
	s4 =	sadd.s32 s4, s6;
	[dreg:$0x0] =	wrdreg $0x0  }
0xae: {  	s6 =	sshll.u32 s28, $0x1;
	[dreg:$0x2] =	wrdreg s4  }
0xaf: {  	[dreg:$0x3] =	wrdreg s6  }
0xb0: {  	[dreg:$0x4] =	wrdreg $0xC0  }
0xb1: {  	_ =	task [dreg:s8], $0x5FFFF  }
0xb2: {  	[dreg:$0x1] =	wrdreg $0xFFFFFFFF  }
0xb3: {  	[dreg:$0x0] =	wrdreg $0x60  }
0xb4: {  	[dreg:$0x2] =	wrdreg s17  }
0xb5: {  	[dreg:$0x3] =	wrdreg s16  }
0xb6: {  	[dreg:$0x4] =	wrdreg s24  }
0xb7: {  	[dreg:$0x5] =	wrdreg $0x5F800  }
0xb8: {  	[dreg:$0x6] =	wrdreg $0x9  }
0xb9: {  	_ =	task.clear_ibuf [dreg:s8], $0x7FFFF;
	_ =	strace $0x90000046  }
0xba: {  	s29 =	simm.s32 $0x9;
	_ =	strace $0x80000048  }
0xbb: {  	_ =	swait.ge [sflag:s29], $0x1  }
0xbc: {  	[sflag:s29] =	ssyncadd.s32 $0xFFFFFFFF  }
0xbd: {  	_ =	strace $0x90000048  }
0xbe: {  	_ =	sfence  }
0xbf: {  	s30 =	sld [smem:$0x0];
	_ =	sdelay $0x2  }
0xc0: {  	s31 =	sshll.u32 s1, $0xD;
	s1 =	sshrl.u32 s1, $0x2  }
0xc1: {  	s3 =	sand.u32 $0x4000, s31;
	s1 =	sadd.s32 s1, s30  }
0xc2: {  	s0 =	sor.u32 s3, s0;
	s1 =	sshll.u32 s1, $0x11  }
0xc3: {  	s0 =	sor.u32 s1, s0  }
0xc4: {  	s0 =	sadd.s32 $0x8F2B, s0  }
0xc5: {  	[sflag:s0] =	ssyncadd.remote.s32 $0x1  }
0xc6: {  	_ =	sfence.sel $0xFFFF  }
0xc7: {  	[dreg:$0x0] =	wrdreg $0xFFFFFFFF;
	(pc) =	sbr.abs _section_cstart, $3  }
0xc8: {  	[dreg:$0x1] =	wrdreg $0xFFFFFFFF  }
0xc9: {  	_ =	task.clear_ibuf [dreg:s8], $0x2FFFF;
	_ =	strace $0x9FFFFFFF  }
0xca: {  	(tm) =	ssettm $0x7FFFFFFF  }
0xcb: {  	_ =	shalt  }
tec
execute0_lowered:
.L_overlay_start_1:
0x0: {  	(tag) =	ssettag $0x1  }
0x1: {  	s7 =	rddreg [dreg:$0x0]  }
0x2: {  	s0 =	rddreg [dreg:$0x1]  }
0x3: {  	s6 =	rddreg [dreg:$0x2];
	s1 =	srdreg.scid  }
0x4: {  	s3 =	rddreg [dreg:$0x3];
	s2 =	stileid.u32  }
0x5: {  	s4 =	simm.s32 $0x0;
	s12 =	simm.s32 $0x2780;
	s13 =	simm.s32 $0x70  }
0x6: {  	s8 =	sand.u32 $0x1, s1;
	s1 =	rddreg [dreg:$0x4];
	s10 =	smul.u32 $0x13C00, s2  }
0x7: {  	s14 =	simm.s32 $0x0;
	[smem:$0x7FF] =	sst s4;
	s26 =	smul.u32 $0x4F000, s2  }
0x8: {  	s5 =	sadd.s32 $0x4E00, s6;
	s31 =	sshll.u32 s2, $0x6;
	s9 =	smul.u32 $0x13C000, s8  }
0x9: {  	_ =	strace $0x80000047;
	s11 =	sshll.u32 s8, $0x4;
	s28 =	ssub.s32 $0x2, s8  }
0xa: {  	s29 =	sor.u32 s2, s11;
	s30 =	sshrl.u32 s28, $0x1;
	s9 =	sadd.s32 s10, s9  }
0xb: {  	s10 =	sshrl.u32 s26, $0x2;
	s8 =	smul.u32 $0x4EC, s29;
	s9 =	sshrl.u32 s9, $0x3  }
0xc: {  	s11 =	ssub.s32 s28, s30;
	s10 =	sadd.s32 s10, s3;
	s9 =	sadd.s32 s9, s6  }
0xd: {  	s6 =	sor.u32 $0x1C01, s31;
	s7 =	sadd.s32 s7, s8;
	s10 =	sshrl.u32 s10, $0x3  }
0xe: {  	s8 =	sadd.s32 $0x7600, s9;
	s9 =	smax.u32 s11, $0x1;
	s11 =	simm.s32 $0x1  }
.LBB2_1:
0xf: {  	[spmem:s10], [sflag:s6] =	dma.local [hbm:s5], $0x2780  }
0x10: {  	_ =	swait.ge [sflag:s11], $0x2780  }
0x11: {  	[sflag:s11] =	ssyncset.done $0x0  }
0x12: {  	[sflag:s11] =	ssyncadd.s32 $0xFFFFD880  }
0x13: {  	[tilespmem:s12], [sflag:$0x1] =	stream.linear.gather [hbm4b:s0+s4], $0x3800, $0x38;
	[tilespmem:$0x19B80] =	vst v63  }
0x14: {  	_ =	swait.ge [sflag:s11], $0x3800  }
0x15: {  	[sflag:s11] =	ssyncset.done $0x0  }
0x16: {  	[sflag:s11] =	ssyncadd.s32 $0xFFFFC800  }
0x17: {  	[tilespmem:s4], [sflag:$0x1] =	stream.linear.gather [hbm4b:s7+s4], $0x2760, $0x38;
	[tilespmem:$0x19B80] =	vst v63  }
0x18: {  	_ =	swait.ge [sflag:s11], $0x2760  }
0x19: {  	[sflag:s11] =	ssyncset.done $0x0  }
0x1a: {  	[sflag:s11] =	ssyncadd.s32 $0xFFFFD8A0  }
0x1b: {  	s15 =	simm.s32 $0x0;
	[bflag:$0x0] =	sbarrier.arrive $0xFFFF  }
0x1c: {  	[spmem:s3] =	stream.indirect.scatter.add.f32 [tilespmem:s12], [sflag:$0x1], $0x80, s15, s13, $0xb8;
	[tilespmem:$0x19B80] =	vst v63  }
0x1d: {  	_ =	swait.ge [sflag:s11], $0x3800  }
0x1e: {  	s15 =	simm.s32 $0x1C0;
	[sflag:s11] =	ssyncset.done $0x0  }
.LBB2_2:
0x1f: {  	s16 =	sshra.s32 s15, $0x2;
	[sflag:s11] =	ssyncadd.s32 $0xFFFFC800;
	p0 =	sne.s32 s15, $0x9BC0  }
0x20: {  	[spmem:s3] =	stream.indirect.scatter.add.f32 [tilespmem:s12], [sflag:$0x1], $0x80, s16, s13, $0xb8;
	[tilespmem:$0x19B80] =	vst v63  }
.Ltmp0:
0x21: {  	_ = 	snop;
	(pc) =	sbr.rel @p0 .LBB2_2-.Ltmp0, $4  }
0x22: {  	_ = 	snop  }
0x23: {  	s15 =	sadd.s32 $0x1C0, s15  }
0x24: {  	_ =	swait.ge [sflag:s11], $0x3800  }
0x25: {  	[sflag:s11] =	ssyncset.done $0x0  }
0x26: {  	s14 =	sadd.s32 $0x1, s14  }
0x27: {  	[sflag:s11] =	ssyncadd.s32 $0xFFFFC800;
	p0 =	sne.s32 s14, s9  }
.Ltmp1:
0x28: {  	[bflag:$0x0] =	sbarrier.arrive $0xFFFF;
	(pc) =	sbr.rel @p0 .LBB2_1-.Ltmp1, $4  }
0x29: {  	[hbm:s8], [sflag:s6] =	dma.local [spmem:s10], $0x2780  }
0x2a: {  	_ =	swait.ge [sflag:s11], $0x2780  }
0x2b: {  	[sflag:s11] =	ssyncset.done $0x0  }
0x2c: {  	[sflag:s11] =	ssyncadd.s32 $0xFFFFD880  }
0x2d: {  	_ =	sfence.sel $0x180000  }
0x2e: {  	[bflag:$0x0] =	sbarrier.arrive $0xFFFF  }
0x2f: {  	p0 =	sne.s32 s2, $0x0;
	_ =	strace $0x90000047  }
0x30: {  	s0 =	sadd.s32 @!p0 $0x100000, s1;
	[bflag:$0x2] =	sbarrier.arrive $0xFFFF  }
0x31: {  	[sflag:s0] =	ssyncadd.tile.s32 @!p0 $0x1;
	_ =	shalt  }
.Lfunc_end2:
_tile_overlayer_lowered:
.L_overlay_start_2:
0x32: {  	(tag) =	ssettag $0x2  }
0x33: {  	s0 =	rddreg [dreg:$0x0];
	s2 =	stileid.u32  }
0x34: {  	s1 =	rddreg [dreg:$0x1];
	p0 =	sne.s32 s2, $0x0  }
0x35: {  	s3 =	rddreg [dreg:$0x2];
	[bflag:$0x3] =	sbarrier.arrive $0xFFFF;
	s2 =	simm.s32 @!p0 $0x1C01  }
0x36: {  	[timem:s3], [sflag:s2] =	dma.local @!p0 [hbm:s0], s1  }
0x37: {  	s0 =	simm.s32 @!p0 $0x1  }
0x38: {  	_ =	swait.ge @!p0 [sflag:s0], s1  }
0x39: {  	s1 =	ssub.s32 @!p0 $0x0, s1;
	[sflag:s0] =	ssyncset.done @!p0 $0x0  }
0x3a: {  	[sflag:s0] =	ssyncadd.s32 @!p0 s1  }
0x3b: {  	[bflag:$0x3] =	sbarrier.arrive $0xFFFF  }
0x3c: {  	_ =	shalt  }

// kernel: kernel.13.cloned.1.call-start
scs
__scs_entry_jumppad:
0x0: {  	(pc) =	sbr.rel $0x88, $3  }
0x1: {  	(tag) =	ssettag $0x0;
	lr =	simm.s32 $0x1  }
0x2: {  	[smem:$0x3F91] =	sst lr;
	_ =	strace $0xD0000000  }
0x3: {  	_ = 	snop  }
0x4: {  	_ = 	snop  }
0x5: {  	_ = 	snop  }
0x6: {  	_ = 	snop  }
0x7: {  	_ = 	snop  }
__scs_overlays_trampoline_lowered:
0x8: {  	[smem:$0x3FA0] =	sst s0  }
0x9: {  	[smem:$0x3FA1] =	sst s1  }
0xa: {  	[smem:$0x3FA2] =	sst s2  }
0xb: {  	[smem:$0x3FA3] =	sst s3  }
0xc: {  	[smem:$0x3FA4] =	sst s4  }
0xd: {  	[smem:$0x3FA5] =	sst s5  }
0xe: {  	[smem:$0x3FA6] =	sst s6  }
0xf: {  	[smem:$0x3FA7] =	sst s7  }
0x10: {  	[smem:$0x3FA8] =	sst s8  }
0x11: {  	[smem:$0x3FA9] =	sst s9;
	s0 =	simm.s32 @!p0 $0x0  }
0x12: {  	s1 =	sld [smem:$0x3F8F];
	s0 =	simm.s32 @p0 $0x1  }
0x13: {  	[smem:$0x3FAA] =	sst s0;
	s0 =	simm.s32 @!p1 $0x0  }
0x14: {  	s2 =	sld [smem:$0x3F8E];
	s0 =	simm.s32 @p1 $0x1  }
0x15: {  	[smem:$0x3FAB] =	sst s0;
	s0 =	simm.s32 @!p2 $0x0  }
0x16: {  	s3 =	sld [smem:$0x3FDB];
	s0 =	simm.s32 @p2 $0x1  }
0x17: {  	s4 =	simm.s32 $0x1BF5;
	[smem:$0x3FAD] =	sst s0  }
0x18: {  	s0 =	sld [smem:$0x3F90];
	_ =	swait.ge [sflag:s4], $0x0  }
0x19: {  	s7 =	sld [smem:$0x3F91]  }
0x1a: {  	s8 =	sadd.s32 $0xFFFFE003, lr  }
0x1b: {  	s9 =	sadd.s32 $0xFFFFFEF7, lr;
	s5 =	simm.s32 $0xFFFFFFFF;
	p2 =	slt.u32 s8, $0xFFFFF086  }
0x1c: {  	p1 =	slt.u32 s9, $0xF7A;
	s5 =	simm.s32 @!p2 $0x0  }
0x1d: {  	s5 =	simm.s32 @p1 $0x1;
	p0 =	seq.s32 s7, s2  }
0x1e: {  	s7 =	smul.u32 @!p0 $0xF7A, s2;
	p2 =	seq.s32 @!p0 s5, $0x0  }
0x1f: {  	s9 =	smul.u32 $0xF7A, s1;
	s8 =	simm.s32 @!p0 $0x1BF5;
	p2 =	por !p2, p0  }
0x20: {  	[sflag:s8] =	ssyncset.s32 @!p0 $0xFFFFF086;
	s6 =	sadd.s32 @!p0 s3, s7;
	s7 =	simm.s32 @!p0 $0x108  }
0x21: {  	s3 =	sadd.s32 s3, s9;
	s6 =	sadd.s32 @!p0 $0x88, s6;
	s7 =	simm.s32 @p2 $0x1082  }
0x22: {  	[simem:s7], [sflag:s8] =	dma.local @!p0 [hbm:s6], $0xF7A  }
0x23: {  	s9 =	sor.u32 $0xD0000000, s2;
	s6 =	simm.s32 $0x108;
	_ =	swait.ge @!p0 [sflag:s8], $0x0  }
0x24: {  	s3 =	sadd.s32 $0x88, s3;
	s6 =	simm.s32 @!p1 $0x1082;
	[sflag:s4] =	ssyncset.s32 $0xFFFFF086  }
0x25: {  	[simem:s6], [sflag:s4] =	dma.local [hbm:s3], $0xF7A  }
0x26: {  	[smem:$0x3F91] =	sst s1;
	(tag) =	ssettag s2;
	_ =	strace s9  }
0x27: {  	s1 =	sld [smem:$0x3FA1]  }
0x28: {  	s2 =	sld [smem:$0x3FA2]  }
0x29: {  	s4 =	sld [smem:$0x3FA4]  }
0x2a: {  	p0 =	seq.s32 s5, $0x0;
	s5 =	sld [smem:$0x3FA5]  }
0x2b: {  	s6 =	sld [smem:$0x3FA6]  }
0x2c: {  	s7 =	sld [smem:$0x3FA7]  }
0x2d: {  	s3 =	simm.s32 $0x108;
	s8 =	sld [smem:$0x3FA8]  }
0x2e: {  	s3 =	simm.s32 @!p0 $0x1082;
	s9 =	sld [smem:$0x3FA9]  }
0x2f: {  	lr =	sadd.s32 s0, s3;
	s0 =	sld [smem:$0x3FA0]  }
0x30: {  	s3 =	sld [smem:$0x3FA3]  }
0x31: {  	[smem:$0x3FAC] =	sst s10  }
0x32: {  	s10 =	sld [smem:$0x3FAA];
	_ =	sdelay $0x3  }
0x33: {  	p0 =	seq.s32 s10, $0x1;
	s10 =	sld [smem:$0x3FAC];
	_ =	sdelay $0x3  }
0x34: {  	[smem:$0x3FAC] =	sst s10  }
0x35: {  	s10 =	sld [smem:$0x3FAB];
	_ =	sdelay $0x3  }
0x36: {  	p1 =	seq.s32 s10, $0x1;
	s10 =	sld [smem:$0x3FAC];
	_ =	sdelay $0x3  }
0x37: {  	[smem:$0x3FAC] =	sst s10  }
0x38: {  	s10 =	sld [smem:$0x3FAD]  }
0x39: {  	_ = 	snop;
	(pc) =	sbr.ind lr, $3  }
0x3a: {  	_ = 	snop  }
0x3b: {  	_ = 	snop  }
0x3c: {  	p2 =	seq.s32 s10, $0x1;
	s10 =	sld [smem:$0x3FAC]  }
0x3d: {  	_ =	shalt  }
0x3e: {  	_ =	shalt  }
0x3f: {  	_ =	shalt  }
0x40: {  	_ =	shalt  }
0x41: {  	_ =	shalt  }
0x42: {  	_ =	shalt  }
0x43: {  	_ =	shalt  }
0x44: {  	_ =	shalt  }
0x45: {  	_ =	shalt  }
0x46: {  	_ =	shalt  }
0x47: {  	_ =	shalt  }
0x48: {  	_ =	shalt  }
0x49: {  	_ =	shalt  }
0x4a: {  	_ =	shalt  }
0x4b: {  	_ =	shalt  }
0x4c: {  	_ =	shalt  }
0x4d: {  	_ =	shalt  }
0x4e: {  	_ =	shalt  }
0x4f: {  	_ =	shalt  }
0x50: {  	_ =	shalt  }
0x51: {  	_ =	shalt  }
0x52: {  	_ =	shalt  }
0x53: {  	_ =	shalt  }
0x54: {  	_ =	shalt  }
0x55: {  	_ =	shalt  }
0x56: {  	_ =	shalt  }
0x57: {  	_ =	shalt  }
0x58: {  	_ =	shalt  }
0x59: {  	_ =	shalt  }
0x5a: {  	_ =	shalt  }
0x5b: {  	_ =	shalt  }
0x5c: {  	_ =	shalt  }
0x5d: {  	_ =	shalt  }
0x5e: {  	_ =	shalt  }
0x5f: {  	_ =	shalt  }
0x60: {  	_ =	shalt  }
0x61: {  	_ =	shalt  }
0x62: {  	_ =	shalt  }
0x63: {  	_ =	shalt  }
0x64: {  	_ =	shalt  }
0x65: {  	_ =	shalt  }
0x66: {  	_ =	shalt  }
0x67: {  	_ =	shalt  }
0x68: {  	_ =	shalt  }
0x69: {  	_ =	shalt  }
0x6a: {  	_ =	shalt  }
0x6b: {  	_ =	shalt  }
0x6c: {  	_ =	shalt  }
0x6d: {  	_ =	shalt  }
0x6e: {  	_ =	shalt  }
0x6f: {  	_ =	shalt  }
0x70: {  	_ =	shalt  }
0x71: {  	_ =	shalt  }
0x72: {  	_ =	shalt  }
0x73: {  	_ =	shalt  }
0x74: {  	_ =	shalt  }
0x75: {  	_ =	shalt  }
0x76: {  	_ =	shalt  }
0x77: {  	_ =	shalt  }
0x78: {  	_ =	shalt  }
0x79: {  	_ =	shalt  }
0x7a: {  	_ =	shalt  }
0x7b: {  	_ =	shalt  }
0x7c: {  	_ =	shalt  }
0x7d: {  	_ =	shalt  }
0x7e: {  	_ =	shalt  }
0x7f: {  	_ =	shalt  }
0x80: {  	_ =	shalt  }
0x81: {  	_ =	shalt  }
0x82: {  	_ =	shalt  }
0x83: {  	_ =	shalt  }
0x84: {  	_ =	shalt  }
0x85: {  	_ =	shalt  }
0x86: {  	_ =	shalt  }
0x87: {  	_ =	shalt  }
.Lfunc_end0:
.L_simem_size_0:
called_computation.1_lowered:
.L_overlay_start_0:
0x88: {  	s2 =	sld [smem:$0x3FD9]  }
0x89: {  	s3 =	sld [smem:$0x3FFE];
	_ =	sdelay $0x1  }
0x8a: {  	s1 =	srdreg.scid  }
0x8b: {  	s0 =	sand.u32 $0x1, s1  }
0x8c: {  	s14 =	sshll.u32 s0, $0xA;
	s2 =	sadd.s32 s3, s2  }
0x8d: {  	s2 =	sadd.s32 s2, s14  }
0x8e: {  	[smem:$0x3FB8] =	sst s2  }
0x8f: {  	_ = 	snop  }
0x90: {  	s2 =	sld [smem:$0x3FD0];
	_ =	sdelay $0x2  }
0x91: {  	s15 =	simm.s32 $0xA;
	s4 =	simm.s32 $0x10  }
0x92: {  	[smem:s4], [sflag:s15] =	dma.local [hbm:s2], $0x1  }
0x93: {  	_ =	swait.eq [sflag:s15], $0x1  }
0x94: {  	[sflag:s15] =	ssyncset.done $0x0  }
0x95: {  	s16 =	sld [smem:$0x10];
	[sflag:s15] =	ssyncadd.s32 $0xFFFFFFFF  }
0x96: {  	s17 =	sld [smem:$0x11];
	(tm) =	ssettm $0x1  }
0x97: {  	s18 =	sld [smem:$0x3FFB];
	_ =	sdelay $0x3  }
0x98: {  	_ =	strace s18  }
0x99: {  	s4 =	sld [smem:$0x3FFC];
	_ =	sdelay $0x3  }
0x9a: {  	_ =	strace s4  }
0x9b: {  	s4 =	sld [smem:$0x3FFD];
	_ =	sdelay $0x3  }
0x9c: {  	_ =	strace s4  }
0x9d: {  	_ =	strace $0x8FFFFFFF  }
0x9e: {  	s19 =	sld [smem:$0x3FDB];
	_ =	sdelay $0x1  }
0x9f: {  	s5 =	simm.s32 $_scs_section_size  }
0xa0: {  	s6 =	simm.s32 $_size__tile_overlayer_lowered;
	s7 =	simm.s32 $_tile_overlayer_lowered  }
0xa1: {  	s22 =	simm.s32 $0x1BFF;
	s21 =	sshll.u32 s7, $0x1;
	s4 =	sadd.s32 s5, s19  }
0xa2: {  	s8 =	simm.s32 $0x0;
	s20 =	sshll.u32 s6, $0x1;
	s6 =	sadd.s32 s21, s4  }
0xa3: {  	[timem:s8], [sflag:s22] =	dma.local [hbm:s6], s20  }
0xa4: {  	_ =	swait.ge [sflag:s22], s20  }
0xa5: {  	s5 =	ssub.s32 $0x0, s20;
	[sflag:s22] =	ssyncset.done $0x0  }
0xa6: {  	[sflag:s22] =	ssyncadd.s32 s5;
	_ =	sdelay $0x1  }
0xa7: {  	s23 =	simm.s32 $0x1B8B  }
0xa8: {  	_ =	swait.ge [sflag:s23], $0x1  }
0xa9: {  	[sflag:s23] =	ssyncset.done $0x0  }
0xaa: {  	s25 =	simm.s32 $0x1B8E;
	s24 =	sld [smem:$0x3FFE];
	[sflag:s23] =	ssyncadd.s32 $0xFFFFFFFF  }
0xab: {  	s26 =	simm.s32 $execute0_lowered;
	[smem:$0x3FD2] =	sst s25  }
0xac: {  	s6 =	sshll.u32 s26, $0x1;
	_ =	strace $0x80000049;
	[dreg:$0x1] =	wrdreg $0xFFFFFFFF  }
0xad: {  	s28 =	simm.s32 $_size_execute0_lowered;
	s4 =	sadd.s32 s4, s6;
	[dreg:$0x0] =	wrdreg $0x0  }
0xae: {  	s6 =	sshll.u32 s28, $0x1;
	[dreg:$0x2] =	wrdreg s4  }
0xaf: {  	[dreg:$0x3] =	wrdreg s6  }
0xb0: {  	[dreg:$0x4] =	wrdreg $0xC0  }
0xb1: {  	_ =	task [dreg:s8], $0x5FFFF  }
0xb2: {  	[dreg:$0x1] =	wrdreg $0xFFFFFFFF  }
0xb3: {  	[dreg:$0x0] =	wrdreg $0x60  }
0xb4: {  	[dreg:$0x2] =	wrdreg s16  }
0xb5: {  	[dreg:$0x3] =	wrdreg s24  }
0xb6: {  	[dreg:$0x4] =	wrdreg s17  }
0xb7: {  	[dreg:$0x5] =	wrdreg $0xBF000  }
0xb8: {  	[dreg:$0x6] =	wrdreg $0x9  }
0xb9: {  	_ =	task.clear_ibuf [dreg:s8], $0x7FFFF;
	_ =	strace $0x90000049  }
0xba: {  	s29 =	simm.s32 $0x9;
	_ =	strace $0x8000004B  }
0xbb: {  	_ =	swait.ge [sflag:s29], $0x1  }
0xbc: {  	[sflag:s29] =	ssyncadd.s32 $0xFFFFFFFF  }
0xbd: {  	_ =	strace $0x9000004B  }
0xbe: {  	_ =	sfence  }
0xbf: {  	s30 =	sld [smem:$0x0];
	_ =	sdelay $0x2  }
0xc0: {  	s31 =	sshll.u32 s1, $0xD;
	s1 =	sshrl.u32 s1, $0x2  }
0xc1: {  	s3 =	sand.u32 $0x4000, s31;
	s1 =	sadd.s32 s1, s30  }
0xc2: {  	s0 =	sor.u32 s3, s0;
	s1 =	sshll.u32 s1, $0x11  }
0xc3: {  	s0 =	sor.u32 s1, s0  }
0xc4: {  	s0 =	sadd.s32 $0x8F2B, s0  }
0xc5: {  	[sflag:s0] =	ssyncadd.remote.s32 $0x1  }
0xc6: {  	_ =	sfence.sel $0xFFFF  }
0xc7: {  	[dreg:$0x0] =	wrdreg $0xFFFFFFFF;
	(pc) =	sbr.abs _section_cstart, $3  }
0xc8: {  	[dreg:$0x1] =	wrdreg $0xFFFFFFFF  }
0xc9: {  	_ =	task.clear_ibuf [dreg:s8], $0x2FFFF;
	_ =	strace $0x9FFFFFFF  }
0xca: {  	(tm) =	ssettm $0x7FFFFFFF  }
0xcb: {  	_ =	shalt  }
tec
execute0_lowered:
.L_overlay_start_1:
0x0: {  	(tag) =	ssettag $0x1  }
0x1: {  	s1 =	rddreg [dreg:$0x0]  }
0x2: {  	s6 =	rddreg [dreg:$0x1]  }
0x3: {  	s8 =	rddreg [dreg:$0x2]  }
0x4: {  	s0 =	srdreg.scid;
	s3 =	rddreg [dreg:$0x3];
	s4 =	simm.s32 $0x0  }
0x5: {  	s14 =	simm.s32 $0x70;
	s15 =	simm.s32 $0x4F00;
	s16 =	simm.s32 $0x8700  }
0x6: {  	s17 =	simm.s32 $0x1;
	s18 =	simm.s32 $0x2;
	s19 =	simm.s32 $0x26F0  }
0x7: {  	s20 =	simm.s32 $0x4E00;
	s21 =	simm.s32 $0x4E70;
	s5 =	sand.u32 $0x1, s0  }
0x8: {  	s22 =	simm.s32 $0x0;
	s0 =	stileid.u32;
	s7 =	smul.u32 $0x13C000, s5  }
0x9: {  	[smem:$0x7FF] =	sst s4;
	s2 =	sshll.u32 s5, $0x4;
	s10 =	smul.u32 $0x13C00, s0  }
0xa: {  	s28 =	ssub.s32 $0x2, s5;
	s12 =	smul.u32 $0x4F000, s0;
	s5 =	sadd.s32 $0x4E00, s6  }
0xb: {  	s31 =	sshll.u32 s0, $0x6;
	s2 =	sor.u32 s0, s2;
	s29 =	sshrl.u32 s28, $0x1  }
0xc: {  	s9 =	smul.u32 $0x4EC, s2;
	s2 =	rddreg [dreg:$0x4];
	_ =	strace $0x8000004A  }
0xd: {  	s7 =	sadd.s32 s10, s7;
	s10 =	ssub.s32 s28, s29;
	s30 =	sshrl.u32 s12, $0x2  }
0xe: {  	s7 =	sshrl.u32 s7, $0x3;
	s12 =	sadd.s32 s30, s3;
	s10 =	smax.u32 s10, $0x1  }
0xf: {  	s11 =	sadd.s32 s9, s6;
	s13 =	sadd.s32 s7, s6;
	s6 =	sor.u32 $0x1C03, s31  }
0x10: {  	s8 =	sadd.s32 s8, s9;
	s7 =	sadd.s32 $0x56600, s11;
	s9 =	sadd.s32 $0x7600, s13  }
0x11: {  	s11 =	sshrl.u32 s12, $0x3;
	s12 =	simm.s32 $0x3;
	s13 =	simm.s32 $0x2780  }
.LBB2_1:
0x12: {  	[spmem:s11], [sflag:s6] =	dma.local [hbm:s5], $0x2780  }
0x13: {  	_ =	swait.ge [sflag:s12], $0x2780  }
0x14: {  	[sflag:s12] =	ssyncset.done $0x0  }
0x15: {  	[sflag:s12] =	ssyncadd.s32 $0xFFFFD880  }
0x16: {  	[tilespmem:s4], [sflag:$0x3] =	stream.linear.gather [hbm4b:s7+s4], $0x2760, $0x38;
	[tilespmem:$0x1FB00] =	vst v63  }
0x17: {  	_ =	swait.ge [sflag:s12], $0x2760  }
0x18: {  	[sflag:s12] =	ssyncset.done $0x0  }
0x19: {  	[sflag:s12] =	ssyncadd.s32 $0xFFFFD8A0  }
0x1a: {  	[tilespmem:s13], [sflag:$0x3] =	stream.linear.gather [hbm4b:s8+s4], $0x2760, $0x38;
	[tilespmem:$0x1FB00] =	vst v63  }
0x1b: {  	_ =	swait.ge [sflag:s12], $0x2760  }
0x1c: {  	[sflag:s12] =	ssyncset.done $0x0  }
0x1d: {  	[sflag:s12] =	ssyncadd.s32 $0xFFFFD8A0  }
0x1e: {  	[bflag:$0x0] =	sbarrier.arrive $0xFFFF  }
0x1f: {  	[tilespmem:s15], [sflag:$0x1] =	stream.indirect.gather [hbm4b:s1+s14], $0x80, s4, s14, $0xb8;
	[tilespmem:$0x1FB00] =	vst v63  }
0x20: {  	s23 =	simm.s32 $0x70  }
0x21: {  	[tilespmem:s16], [sflag:$0x2] =	stream.indirect.gather [hbm4b:s1+s14], $0x80, s23, s14, $0xb8;
	[tilespmem:$0x1FB00] =	vst v63  }
0x22: {  	_ =	swait.ge [sflag:s17], $0x3800  }
0x23: {  	[sflag:s17] =	ssyncset.done $0x0  }
0x24: {  	s29 =	simm.s32 $0x2780;
	[sflag:s17] =	ssyncadd.s32 $0xFFFFC800  }
0x25: {  	[spmem:s3] =	stream.indirect.scatter.add.f32 [tilespmem:s15], [sflag:$0x3], $0x80, s29, s14, $0xb8;
	[tilespmem:$0x1FB00] =	vst v63  }
0x26: {  	_ =	swait.ge [sflag:s12], $0x3800  }
0x27: {  	[sflag:s12] =	ssyncset.done $0x0  }
0x28: {  	s30 =	simm.s32 $0xE0;
	[sflag:s12] =	ssyncadd.s32 $0xFFFFC800  }
0x29: {  	[tilespmem:s15], [sflag:$0x1] =	stream.indirect.gather [hbm4b:s1+s14], $0x80, s30, s14, $0xb8;
	[tilespmem:$0x1FB00] =	vst v63  }
0x2a: {  	_ =	swait.ge [sflag:s18], $0x3800  }
0x2b: {  	[sflag:s18] =	ssyncset.done $0x0  }
0x2c: {  	s31 =	simm.s32 $0x27F0;
	[sflag:s18] =	ssyncadd.s32 $0xFFFFC800  }
0x2d: {  	[spmem:s3] =	stream.indirect.scatter.add.f32 [tilespmem:s16], [sflag:$0x3], $0x80, s31, s14, $0xb8;
	[tilespmem:$0x1FB00] =	vst v63  }
0x2e: {  	_ =	swait.ge [sflag:s12], $0x3800  }
0x2f: {  	s24 =	simm.s32 $0x700;
	s23 =	simm.s32 $0xE0;
	[sflag:s12] =	ssyncset.done $0x0  }
.LBB2_2:
0x30: {  	s25 =	sadd.s32 $0x70, s23  }
0x31: {  	[sflag:s12] =	ssyncadd.s32 $0xFFFFC800;
	s26 =	smov.u32 s24;
	s28 =	sadd.s32 $0x380, s24  }
0x32: {  	[tilespmem:s16], [sflag:$0x2] =	stream.indirect.gather [hbm4b:s1+s14], $0x80, s25, s14, $0xb8;
	[tilespmem:$0x1FB00] =	vst v63  }
0x33: {  	p0 =	sne.s32 s24, $0x9680;
	_ =	swait.ge [sflag:s17], $0x3800  }
0x34: {  	[sflag:s17] =	ssyncset.done $0x0  }
0x35: {  	s24 =	sadd.s32 $0x2780, s23;
	[sflag:s17] =	ssyncadd.s32 $0xFFFFC800  }
0x36: {  	[spmem:s3] =	stream.indirect.scatter.add.f32 [tilespmem:s15], [sflag:$0x3], $0x80, s24, s14, $0xb8;
	[tilespmem:$0x1FB00] =	vst v63  }
0x37: {  	_ =	swait.ge [sflag:s12], $0x3800  }
0x38: {  	[sflag:s12] =	ssyncset.done $0x0  }
0x39: {  	s24 =	sadd.s32 $0xE0, s23;
	[sflag:s12] =	ssyncadd.s32 $0xFFFFC800  }
0x3a: {  	[tilespmem:s15], [sflag:$0x1] =	stream.indirect.gather [hbm4b:s1+s14], $0x80, s24, s14, $0xb8;
	[tilespmem:$0x1FB00] =	vst v63  }
0x3b: {  	_ =	swait.ge [sflag:s18], $0x3800  }
.Ltmp0:
0x3c: {  	[sflag:s18] =	ssyncset.done $0x0;
	(pc) =	sbr.rel @p0 .LBB2_2-.Ltmp0, $4  }
0x3d: {  	s23 =	sadd.s32 $0x27F0, s23;
	[sflag:s18] =	ssyncadd.s32 $0xFFFFC800  }
0x3e: {  	[spmem:s3] =	stream.indirect.scatter.add.f32 [tilespmem:s16], [sflag:$0x3], $0x80, s23, s14, $0xb8;
	[tilespmem:$0x1FB00] =	vst v63  }
0x3f: {  	_ =	swait.ge [sflag:s12], $0x3800  }
0x40: {  	s24 =	smov.u32 s28;
	s23 =	sshra.s32 s26, $0x2;
	[sflag:s12] =	ssyncset.done $0x0  }
0x41: {  	s24 =	sadd.s32 $0x70, s23;
	[sflag:s12] =	ssyncadd.s32 $0xFFFFC800  }
0x42: {  	[tilespmem:s16], [sflag:$0x2] =	stream.indirect.gather [hbm4b:s1+s14], $0x80, s24, s14, $0xb8;
	[tilespmem:$0x1FB00] =	vst v63  }
0x43: {  	_ =	swait.ge [sflag:s17], $0x3800  }
0x44: {  	[sflag:s17] =	ssyncset.done $0x0  }
0x45: {  	s29 =	sadd.s32 $0x2780, s23;
	[sflag:s17] =	ssyncadd.s32 $0xFFFFC800  }
0x46: {  	[spmem:s3] =	stream.indirect.scatter.add.f32 [tilespmem:s15], [sflag:$0x3], $0x80, s29, s14, $0xb8;
	[tilespmem:$0x1FB00] =	vst v63  }
0x47: {  	_ =	swait.ge [sflag:s12], $0x3800  }
0x48: {  	[sflag:s12] =	ssyncset.done $0x0  }
0x49: {  	s30 =	sadd.s32 $0xE0, s23;
	[sflag:s12] =	ssyncadd.s32 $0xFFFFC800  }
0x4a: {  	[tilespmem:s15], [sflag:$0x1] =	stream.indirect.gather [hbm4b:s1+s14], $0x80, s30, s14, $0xb8;
	[tilespmem:$0x1FB00] =	vst v63  }
0x4b: {  	_ =	swait.ge [sflag:s18], $0x3800  }
0x4c: {  	[sflag:s18] =	ssyncset.done $0x0  }
0x4d: {  	s31 =	sadd.s32 $0x27F0, s23;
	[sflag:s18] =	ssyncadd.s32 $0xFFFFC800  }
0x4e: {  	[spmem:s3] =	stream.indirect.scatter.add.f32 [tilespmem:s16], [sflag:$0x3], $0x80, s31, s14, $0xb8;
	[tilespmem:$0x1FB00] =	vst v63  }
0x4f: {  	_ =	swait.ge [sflag:s12], $0x3800  }
0x50: {  	[sflag:s12] =	ssyncset.done $0x0  }
0x51: {  	[sflag:s12] =	ssyncadd.s32 $0xFFFFC800  }
0x52: {  	[tilespmem:s16], [sflag:$0x2] =	stream.indirect.gather [hbm4b:s1+s14], $0x80, s19, s14, $0xb8;
	[tilespmem:$0x1FB00] =	vst v63  }
0x53: {  	_ =	swait.ge [sflag:s17], $0x3800  }
0x54: {  	[sflag:s17] =	ssyncset.done $0x0  }
0x55: {  	[sflag:s17] =	ssyncadd.s32 $0xFFFFC800  }
0x56: {  	[spmem:s3] =	stream.indirect.scatter.add.f32 [tilespmem:s15], [sflag:$0x3], $0x80, s20, s14, $0xb8;
	[tilespmem:$0x1FB00] =	vst v63  }
0x57: {  	_ =	swait.ge [sflag:s12], $0x3800  }
0x58: {  	[sflag:s12] =	ssyncset.done $0x0  }
0x59: {  	[sflag:s12] =	ssyncadd.s32 $0xFFFFC800  }
0x5a: {  	_ =	swait.ge [sflag:s18], $0x3800  }
0x5b: {  	[sflag:s18] =	ssyncset.done $0x0  }
0x5c: {  	[sflag:s18] =	ssyncadd.s32 $0xFFFFC800  }
0x5d: {  	[spmem:s3] =	stream.indirect.scatter.add.f32 [tilespmem:s16], [sflag:$0x3], $0x80, s21, s14, $0xb8;
	[tilespmem:$0x1FB00] =	vst v63  }
0x5e: {  	_ =	swait.ge [sflag:s12], $0x3800  }
0x5f: {  	s22 =	sadd.s32 $0x1, s22;
	[sflag:s12] =	ssyncset.done $0x0  }
0x60: {  	p0 =	sne.s32 s22, s10;
	[sflag:s12] =	ssyncadd.s32 $0xFFFFC800  }
.Ltmp1:
0x61: {  	[bflag:$0x0] =	sbarrier.arrive $0xFFFF;
	(pc) =	sbr.rel @p0 .LBB2_1-.Ltmp1, $4  }
0x62: {  	[hbm:s9], [sflag:s6] =	dma.local [spmem:s11], $0x2780  }
0x63: {  	_ =	swait.ge [sflag:s12], $0x2780  }
0x64: {  	[sflag:s12] =	ssyncset.done $0x0  }
0x65: {  	[sflag:s12] =	ssyncadd.s32 $0xFFFFD880  }
0x66: {  	_ =	sfence.sel $0x180000  }
0x67: {  	[bflag:$0x0] =	sbarrier.arrive $0xFFFF  }
0x68: {  	p0 =	sne.s32 s0, $0x0;
	_ =	strace $0x9000004A  }
0x69: {  	s0 =	sadd.s32 @!p0 $0x100000, s2;
	[bflag:$0x2] =	sbarrier.arrive $0xFFFF  }
0x6a: {  	[sflag:s0] =	ssyncadd.tile.s32 @!p0 $0x1;
	_ =	shalt  }
.Lfunc_end2:
_tile_overlayer_lowered:
.L_overlay_start_2:
0x6b: {  	(tag) =	ssettag $0x2  }
0x6c: {  	s0 =	rddreg [dreg:$0x0];
	s2 =	stileid.u32  }
0x6d: {  	s1 =	rddreg [dreg:$0x1];
	p0 =	sne.s32 s2, $0x0  }
0x6e: {  	s3 =	rddreg [dreg:$0x2];
	[bflag:$0x3] =	sbarrier.arrive $0xFFFF;
	s2 =	simm.s32 @!p0 $0x1C03  }
0x6f: {  	[timem:s3], [sflag:s2] =	dma.local @!p0 [hbm:s0], s1  }
0x70: {  	s0 =	simm.s32 @!p0 $0x3  }
0x71: {  	_ =	swait.ge @!p0 [sflag:s0], s1  }
0x72: {  	s1 =	ssub.s32 @!p0 $0x0, s1;
	[sflag:s0] =	ssyncset.done @!p0 $0x0  }
0x73: {  	[sflag:s0] =	ssyncadd.s32 @!p0 s1  }
0x74: {  	[bflag:$0x3] =	sbarrier.arrive $0xFFFF  }
0x75: {  	_ =	shalt  }

// kernel: kernel.16.cloned.1.call-start
scs
__scs_entry_jumppad:
0x0: {  	(pc) =	sbr.rel $0x88, $3  }
0x1: {  	(tag) =	ssettag $0x0;
	lr =	simm.s32 $0x1  }
0x2: {  	[smem:$0x3F91] =	sst lr;
	_ =	strace $0xD0000000  }
0x3: {  	_ = 	snop  }
0x4: {  	_ = 	snop  }
0x5: {  	_ = 	snop  }
0x6: {  	_ = 	snop  }
0x7: {  	_ = 	snop  }
__scs_overlays_trampoline_lowered:
0x8: {  	[smem:$0x3FA0] =	sst s0  }
0x9: {  	[smem:$0x3FA1] =	sst s1  }
0xa: {  	[smem:$0x3FA2] =	sst s2  }
0xb: {  	[smem:$0x3FA3] =	sst s3  }
0xc: {  	[smem:$0x3FA4] =	sst s4  }
0xd: {  	[smem:$0x3FA5] =	sst s5  }
0xe: {  	[smem:$0x3FA6] =	sst s6  }
0xf: {  	[smem:$0x3FA7] =	sst s7  }
0x10: {  	[smem:$0x3FA8] =	sst s8  }
0x11: {  	[smem:$0x3FA9] =	sst s9;
	s0 =	simm.s32 @!p0 $0x0  }
0x12: {  	s1 =	sld [smem:$0x3F8F];
	s0 =	simm.s32 @p0 $0x1  }
0x13: {  	[smem:$0x3FAA] =	sst s0;
	s0 =	simm.s32 @!p1 $0x0  }
0x14: {  	s2 =	sld [smem:$0x3F8E];
	s0 =	simm.s32 @p1 $0x1  }
0x15: {  	[smem:$0x3FAB] =	sst s0;
	s0 =	simm.s32 @!p2 $0x0  }
0x16: {  	s3 =	sld [smem:$0x3FDB];
	s0 =	simm.s32 @p2 $0x1  }
0x17: {  	s4 =	simm.s32 $0x1BF5;
	[smem:$0x3FAD] =	sst s0  }
0x18: {  	s0 =	sld [smem:$0x3F90];
	_ =	swait.ge [sflag:s4], $0x0  }
0x19: {  	s7 =	sld [smem:$0x3F91]  }
0x1a: {  	s8 =	sadd.s32 $0xFFFFE003, lr  }
0x1b: {  	s9 =	sadd.s32 $0xFFFFFEF7, lr;
	s5 =	simm.s32 $0xFFFFFFFF;
	p2 =	slt.u32 s8, $0xFFFFF086  }
0x1c: {  	p1 =	slt.u32 s9, $0xF7A;
	s5 =	simm.s32 @!p2 $0x0  }
0x1d: {  	s5 =	simm.s32 @p1 $0x1;
	p0 =	seq.s32 s7, s2  }
0x1e: {  	s7 =	smul.u32 @!p0 $0xF7A, s2;
	p2 =	seq.s32 @!p0 s5, $0x0  }
0x1f: {  	s9 =	smul.u32 $0xF7A, s1;
	s8 =	simm.s32 @!p0 $0x1BF5;
	p2 =	por !p2, p0  }
0x20: {  	[sflag:s8] =	ssyncset.s32 @!p0 $0xFFFFF086;
	s6 =	sadd.s32 @!p0 s3, s7;
	s7 =	simm.s32 @!p0 $0x108  }
0x21: {  	s3 =	sadd.s32 s3, s9;
	s6 =	sadd.s32 @!p0 $0x88, s6;
	s7 =	simm.s32 @p2 $0x1082  }
0x22: {  	[simem:s7], [sflag:s8] =	dma.local @!p0 [hbm:s6], $0xF7A  }
0x23: {  	s9 =	sor.u32 $0xD0000000, s2;
	s6 =	simm.s32 $0x108;
	_ =	swait.ge @!p0 [sflag:s8], $0x0  }
0x24: {  	s3 =	sadd.s32 $0x88, s3;
	s6 =	simm.s32 @!p1 $0x1082;
	[sflag:s4] =	ssyncset.s32 $0xFFFFF086  }
0x25: {  	[simem:s6], [sflag:s4] =	dma.local [hbm:s3], $0xF7A  }
0x26: {  	[smem:$0x3F91] =	sst s1;
	(tag) =	ssettag s2;
	_ =	strace s9  }
0x27: {  	s1 =	sld [smem:$0x3FA1]  }
0x28: {  	s2 =	sld [smem:$0x3FA2]  }
0x29: {  	s4 =	sld [smem:$0x3FA4]  }
0x2a: {  	p0 =	seq.s32 s5, $0x0;
	s5 =	sld [smem:$0x3FA5]  }
0x2b: {  	s6 =	sld [smem:$0x3FA6]  }
0x2c: {  	s7 =	sld [smem:$0x3FA7]  }
0x2d: {  	s3 =	simm.s32 $0x108;
	s8 =	sld [smem:$0x3FA8]  }
0x2e: {  	s3 =	simm.s32 @!p0 $0x1082;
	s9 =	sld [smem:$0x3FA9]  }
0x2f: {  	lr =	sadd.s32 s0, s3;
	s0 =	sld [smem:$0x3FA0]  }
0x30: {  	s3 =	sld [smem:$0x3FA3]  }
0x31: {  	[smem:$0x3FAC] =	sst s10  }
0x32: {  	s10 =	sld [smem:$0x3FAA];
	_ =	sdelay $0x3  }
0x33: {  	p0 =	seq.s32 s10, $0x1;
	s10 =	sld [smem:$0x3FAC];
	_ =	sdelay $0x3  }
0x34: {  	[smem:$0x3FAC] =	sst s10  }
0x35: {  	s10 =	sld [smem:$0x3FAB];
	_ =	sdelay $0x3  }
0x36: {  	p1 =	seq.s32 s10, $0x1;
	s10 =	sld [smem:$0x3FAC];
	_ =	sdelay $0x3  }
0x37: {  	[smem:$0x3FAC] =	sst s10  }
0x38: {  	s10 =	sld [smem:$0x3FAD]  }
0x39: {  	_ = 	snop;
	(pc) =	sbr.ind lr, $3  }
0x3a: {  	_ = 	snop  }
0x3b: {  	_ = 	snop  }
0x3c: {  	p2 =	seq.s32 s10, $0x1;
	s10 =	sld [smem:$0x3FAC]  }
0x3d: {  	_ =	shalt  }
0x3e: {  	_ =	shalt  }
0x3f: {  	_ =	shalt  }
0x40: {  	_ =	shalt  }
0x41: {  	_ =	shalt  }
0x42: {  	_ =	shalt  }
0x43: {  	_ =	shalt  }
0x44: {  	_ =	shalt  }
0x45: {  	_ =	shalt  }
0x46: {  	_ =	shalt  }
0x47: {  	_ =	shalt  }
0x48: {  	_ =	shalt  }
0x49: {  	_ =	shalt  }
0x4a: {  	_ =	shalt  }
0x4b: {  	_ =	shalt  }
0x4c: {  	_ =	shalt  }
0x4d: {  	_ =	shalt  }
0x4e: {  	_ =	shalt  }
0x4f: {  	_ =	shalt  }
0x50: {  	_ =	shalt  }
0x51: {  	_ =	shalt  }
0x52: {  	_ =	shalt  }
0x53: {  	_ =	shalt  }
0x54: {  	_ =	shalt  }
0x55: {  	_ =	shalt  }
0x56: {  	_ =	shalt  }
0x57: {  	_ =	shalt  }
0x58: {  	_ =	shalt  }
0x59: {  	_ =	shalt  }
0x5a: {  	_ =	shalt  }
0x5b: {  	_ =	shalt  }
0x5c: {  	_ =	shalt  }
0x5d: {  	_ =	shalt  }
0x5e: {  	_ =	shalt  }
0x5f: {  	_ =	shalt  }
0x60: {  	_ =	shalt  }
0x61: {  	_ =	shalt  }
0x62: {  	_ =	shalt  }
0x63: {  	_ =	shalt  }
0x64: {  	_ =	shalt  }
0x65: {  	_ =	shalt  }
0x66: {  	_ =	shalt  }
0x67: {  	_ =	shalt  }
0x68: {  	_ =	shalt  }
0x69: {  	_ =	shalt  }
0x6a: {  	_ =	shalt  }
0x6b: {  	_ =	shalt  }
0x6c: {  	_ =	shalt  }
0x6d: {  	_ =	shalt  }
0x6e: {  	_ =	shalt  }
0x6f: {  	_ =	shalt  }
0x70: {  	_ =	shalt  }
0x71: {  	_ =	shalt  }
0x72: {  	_ =	shalt  }
0x73: {  	_ =	shalt  }
0x74: {  	_ =	shalt  }
0x75: {  	_ =	shalt  }
0x76: {  	_ =	shalt  }
0x77: {  	_ =	shalt  }
0x78: {  	_ =	shalt  }
0x79: {  	_ =	shalt  }
0x7a: {  	_ =	shalt  }
0x7b: {  	_ =	shalt  }
0x7c: {  	_ =	shalt  }
0x7d: {  	_ =	shalt  }
0x7e: {  	_ =	shalt  }
0x7f: {  	_ =	shalt  }
0x80: {  	_ =	shalt  }
0x81: {  	_ =	shalt  }
0x82: {  	_ =	shalt  }
0x83: {  	_ =	shalt  }
0x84: {  	_ =	shalt  }
0x85: {  	_ =	shalt  }
0x86: {  	_ =	shalt  }
0x87: {  	_ =	shalt  }
.Lfunc_end0:
.L_simem_size_0:
called_computation.2_lowered:
.L_overlay_start_0:
0x88: {  	s2 =	sld [smem:$0x3FD9]  }
0x89: {  	s3 =	sld [smem:$0x3FFE];
	_ =	sdelay $0x1  }
0x8a: {  	s1 =	srdreg.scid  }
0x8b: {  	s0 =	sand.u32 $0x1, s1  }
0x8c: {  	s14 =	sshll.u32 s0, $0xA;
	s2 =	sadd.s32 s3, s2  }
0x8d: {  	s2 =	sadd.s32 s2, s14  }
0x8e: {  	[smem:$0x3FB8] =	sst s2  }
0x8f: {  	_ = 	snop  }
0x90: {  	s2 =	sld [smem:$0x3FD0];
	_ =	sdelay $0x2  }
0x91: {  	s15 =	simm.s32 $0xA;
	s4 =	simm.s32 $0x10  }
0x92: {  	[smem:s4], [sflag:s15] =	dma.local [hbm:s2], $0x1  }
0x93: {  	_ =	swait.eq [sflag:s15], $0x1  }
0x94: {  	[sflag:s15] =	ssyncset.done $0x0  }
0x95: {  	s16 =	sld [smem:$0x10];
	[sflag:s15] =	ssyncadd.s32 $0xFFFFFFFF  }
0x96: {  	s17 =	sld [smem:$0x11];
	(tm) =	ssettm $0x1  }
0x97: {  	s18 =	sld [smem:$0x3FFB];
	_ =	sdelay $0x3  }
0x98: {  	_ =	strace s18  }
0x99: {  	s4 =	sld [smem:$0x3FFC];
	_ =	sdelay $0x3  }
0x9a: {  	_ =	strace s4  }
0x9b: {  	s4 =	sld [smem:$0x3FFD];
	_ =	sdelay $0x3  }
0x9c: {  	_ =	strace s4  }
0x9d: {  	_ =	strace $0x8FFFFFFF  }
0x9e: {  	s19 =	sld [smem:$0x3FDB];
	_ =	sdelay $0x1  }
0x9f: {  	s5 =	simm.s32 $_scs_section_size  }
0xa0: {  	s6 =	simm.s32 $_size__tile_overlayer_lowered;
	s7 =	simm.s32 $_tile_overlayer_lowered  }
0xa1: {  	s22 =	simm.s32 $0x1BFF;
	s21 =	sshll.u32 s7, $0x1;
	s4 =	sadd.s32 s5, s19  }
0xa2: {  	s8 =	simm.s32 $0x0;
	s20 =	sshll.u32 s6, $0x1;
	s6 =	sadd.s32 s21, s4  }
0xa3: {  	[timem:s8], [sflag:s22] =	dma.local [hbm:s6], s20  }
0xa4: {  	_ =	swait.ge [sflag:s22], s20  }
0xa5: {  	s5 =	ssub.s32 $0x0, s20;
	[sflag:s22] =	ssyncset.done $0x0  }
0xa6: {  	[sflag:s22] =	ssyncadd.s32 s5;
	_ =	sdelay $0x1  }
0xa7: {  	s23 =	simm.s32 $0x1B8B  }
0xa8: {  	_ =	swait.ge [sflag:s23], $0x1  }
0xa9: {  	[sflag:s23] =	ssyncset.done $0x0  }
0xaa: {  	s25 =	simm.s32 $0x1B8E;
	s24 =	sld [smem:$0x3FFE];
	[sflag:s23] =	ssyncadd.s32 $0xFFFFFFFF  }
0xab: {  	s26 =	simm.s32 $execute0_lowered;
	[smem:$0x3FD2] =	sst s25  }
0xac: {  	s6 =	sshll.u32 s26, $0x1;
	_ =	strace $0x8000004C;
	[dreg:$0x1] =	wrdreg $0xFFFFFFFF  }
0xad: {  	s28 =	simm.s32 $_size_execute0_lowered;
	s4 =	sadd.s32 s4, s6;
	[dreg:$0x0] =	wrdreg $0x0  }
0xae: {  	s6 =	sshll.u32 s28, $0x1;
	[dreg:$0x2] =	wrdreg s4  }
0xaf: {  	[dreg:$0x3] =	wrdreg s6  }
0xb0: {  	[dreg:$0x4] =	wrdreg $0xC0  }
0xb1: {  	_ =	task [dreg:s8], $0x5FFFF  }
0xb2: {  	[dreg:$0x1] =	wrdreg $0xFFFFFFFF  }
0xb3: {  	[dreg:$0x0] =	wrdreg $0x60  }
0xb4: {  	[dreg:$0x2] =	wrdreg s16  }
0xb5: {  	[dreg:$0x3] =	wrdreg s24  }
0xb6: {  	[dreg:$0x4] =	wrdreg s17  }
0xb7: {  	[dreg:$0x5] =	wrdreg $0xBF000  }
0xb8: {  	[dreg:$0x6] =	wrdreg $0x9  }
0xb9: {  	_ =	task.clear_ibuf [dreg:s8], $0x7FFFF;
	_ =	strace $0x9000004C  }
0xba: {  	s29 =	simm.s32 $0x9;
	_ =	strace $0x8000004E  }
0xbb: {  	_ =	swait.ge [sflag:s29], $0x1  }
0xbc: {  	[sflag:s29] =	ssyncadd.s32 $0xFFFFFFFF  }
0xbd: {  	_ =	strace $0x9000004E  }
0xbe: {  	_ =	sfence  }
0xbf: {  	s30 =	sld [smem:$0x0];
	_ =	sdelay $0x2  }
0xc0: {  	s31 =	sshll.u32 s1, $0xD;
	s1 =	sshrl.u32 s1, $0x2  }
0xc1: {  	s3 =	sand.u32 $0x4000, s31;
	s1 =	sadd.s32 s1, s30  }
0xc2: {  	s0 =	sor.u32 s3, s0;
	s1 =	sshll.u32 s1, $0x11  }
0xc3: {  	s0 =	sor.u32 s1, s0  }
0xc4: {  	s0 =	sadd.s32 $0x8F2B, s0  }
0xc5: {  	[sflag:s0] =	ssyncadd.remote.s32 $0x1  }
0xc6: {  	_ =	sfence.sel $0xFFFF  }
0xc7: {  	[dreg:$0x0] =	wrdreg $0xFFFFFFFF;
	(pc) =	sbr.abs _section_cstart, $3  }
0xc8: {  	[dreg:$0x1] =	wrdreg $0xFFFFFFFF  }
0xc9: {  	_ =	task.clear_ibuf [dreg:s8], $0x2FFFF;
	_ =	strace $0x9FFFFFFF  }
0xca: {  	(tm) =	ssettm $0x7FFFFFFF  }
0xcb: {  	_ =	shalt  }
tec
execute0_lowered:
.L_overlay_start_1:
0x0: {  	(tag) =	ssettag $0x1  }
0x1: {  	s1 =	rddreg [dreg:$0x0]  }
0x2: {  	s6 =	rddreg [dreg:$0x1]  }
0x3: {  	s8 =	rddreg [dreg:$0x2]  }
0x4: {  	s0 =	srdreg.scid;
	s3 =	rddreg [dreg:$0x3];
	s4 =	simm.s32 $0x0  }
0x5: {  	s14 =	simm.s32 $0x70;
	s15 =	simm.s32 $0x4F00;
	s16 =	simm.s32 $0x8700  }
0x6: {  	s17 =	simm.s32 $0x1;
	s18 =	simm.s32 $0x2;
	s19 =	simm.s32 $0x26F0  }
0x7: {  	s20 =	simm.s32 $0x4E00;
	s21 =	simm.s32 $0x4E70;
	s5 =	sand.u32 $0x1, s0  }
0x8: {  	s22 =	simm.s32 $0x0;
	s0 =	stileid.u32;
	s7 =	smul.u32 $0x13C000, s5  }
0x9: {  	[smem:$0x7FF] =	sst s4;
	s2 =	sshll.u32 s5, $0x4;
	s10 =	smul.u32 $0x13C00, s0  }
0xa: {  	s28 =	ssub.s32 $0x2, s5;
	s12 =	smul.u32 $0x4F000, s0;
	s5 =	sadd.s32 $0x4E00, s6  }
0xb: {  	s31 =	sshll.u32 s0, $0x6;
	s2 =	sor.u32 s0, s2;
	s29 =	sshrl.u32 s28, $0x1  }
0xc: {  	s9 =	smul.u32 $0x4EC, s2;
	s2 =	rddreg [dreg:$0x4];
	_ =	strace $0x8000004D  }
0xd: {  	s7 =	sadd.s32 s10, s7;
	s10 =	ssub.s32 s28, s29;
	s30 =	sshrl.u32 s12, $0x2  }
0xe: {  	s7 =	sshrl.u32 s7, $0x3;
	s12 =	sadd.s32 s30, s3;
	s10 =	smax.u32 s10, $0x1  }
0xf: {  	s11 =	sadd.s32 s9, s6;
	s13 =	sadd.s32 s7, s6;
	s6 =	sor.u32 $0x1C03, s31  }
0x10: {  	s8 =	sadd.s32 s8, s9;
	s7 =	sadd.s32 $0x56600, s11;
	s9 =	sadd.s32 $0x7600, s13  }
0x11: {  	s11 =	sshrl.u32 s12, $0x3;
	s12 =	simm.s32 $0x3;
	s13 =	simm.s32 $0x2780  }
.LBB2_1:
0x12: {  	[spmem:s11], [sflag:s6] =	dma.local [hbm:s5], $0x2780  }
0x13: {  	_ =	swait.ge [sflag:s12], $0x2780  }
0x14: {  	[sflag:s12] =	ssyncset.done $0x0  }
0x15: {  	[sflag:s12] =	ssyncadd.s32 $0xFFFFD880  }
0x16: {  	[tilespmem:s4], [sflag:$0x3] =	stream.linear.gather [hbm4b:s7+s4], $0x2760, $0x38;
	[tilespmem:$0x1FB00] =	vst v63  }
0x17: {  	_ =	swait.ge [sflag:s12], $0x2760  }
0x18: {  	[sflag:s12] =	ssyncset.done $0x0  }
0x19: {  	[sflag:s12] =	ssyncadd.s32 $0xFFFFD8A0  }
0x1a: {  	[tilespmem:s13], [sflag:$0x3] =	stream.linear.gather [hbm4b:s8+s4], $0x2760, $0x38;
	[tilespmem:$0x1FB00] =	vst v63  }
0x1b: {  	_ =	swait.ge [sflag:s12], $0x2760  }
0x1c: {  	[sflag:s12] =	ssyncset.done $0x0  }
0x1d: {  	[sflag:s12] =	ssyncadd.s32 $0xFFFFD8A0  }
0x1e: {  	[bflag:$0x0] =	sbarrier.arrive $0xFFFF  }
0x1f: {  	[tilespmem:s15], [sflag:$0x1] =	stream.indirect.gather [hbm4b:s1+s14], $0x80, s4, s14, $0xb8;
	[tilespmem:$0x1FB00] =	vst v63  }
0x20: {  	s23 =	simm.s32 $0x70  }
0x21: {  	[tilespmem:s16], [sflag:$0x2] =	stream.indirect.gather [hbm4b:s1+s14], $0x80, s23, s14, $0xb8;
	[tilespmem:$0x1FB00] =	vst v63  }
0x22: {  	_ =	swait.ge [sflag:s17], $0x3800  }
0x23: {  	[sflag:s17] =	ssyncset.done $0x0  }
0x24: {  	s29 =	simm.s32 $0x2780;
	[sflag:s17] =	ssyncadd.s32 $0xFFFFC800  }
0x25: {  	[spmem:s3] =	stream.indirect.scatter.add.f32 [tilespmem:s15], [sflag:$0x3], $0x80, s29, s14, $0xb8;
	[tilespmem:$0x1FB00] =	vst v63  }
0x26: {  	_ =	swait.ge [sflag:s12], $0x3800  }
0x27: {  	[sflag:s12] =	ssyncset.done $0x0  }
0x28: {  	s30 =	simm.s32 $0xE0;
	[sflag:s12] =	ssyncadd.s32 $0xFFFFC800  }
0x29: {  	[tilespmem:s15], [sflag:$0x1] =	stream.indirect.gather [hbm4b:s1+s14], $0x80, s30, s14, $0xb8;
	[tilespmem:$0x1FB00] =	vst v63  }
0x2a: {  	_ =	swait.ge [sflag:s18], $0x3800  }
0x2b: {  	[sflag:s18] =	ssyncset.done $0x0  }
0x2c: {  	s31 =	simm.s32 $0x27F0;
	[sflag:s18] =	ssyncadd.s32 $0xFFFFC800  }
0x2d: {  	[spmem:s3] =	stream.indirect.scatter.add.f32 [tilespmem:s16], [sflag:$0x3], $0x80, s31, s14, $0xb8;
	[tilespmem:$0x1FB00] =	vst v63  }
0x2e: {  	_ =	swait.ge [sflag:s12], $0x3800  }
0x2f: {  	s24 =	simm.s32 $0x700;
	s23 =	simm.s32 $0xE0;
	[sflag:s12] =	ssyncset.done $0x0  }
.LBB2_2:
0x30: {  	s25 =	sadd.s32 $0x70, s23  }
0x31: {  	[sflag:s12] =	ssyncadd.s32 $0xFFFFC800;
	s26 =	smov.u32 s24;
	s28 =	sadd.s32 $0x380, s24  }
0x32: {  	[tilespmem:s16], [sflag:$0x2] =	stream.indirect.gather [hbm4b:s1+s14], $0x80, s25, s14, $0xb8;
	[tilespmem:$0x1FB00] =	vst v63  }
0x33: {  	p0 =	sne.s32 s24, $0x9680;
	_ =	swait.ge [sflag:s17], $0x3800  }
0x34: {  	[sflag:s17] =	ssyncset.done $0x0  }
0x35: {  	s24 =	sadd.s32 $0x2780, s23;
	[sflag:s17] =	ssyncadd.s32 $0xFFFFC800  }
0x36: {  	[spmem:s3] =	stream.indirect.scatter.add.f32 [tilespmem:s15], [sflag:$0x3], $0x80, s24, s14, $0xb8;
	[tilespmem:$0x1FB00] =	vst v63  }
0x37: {  	_ =	swait.ge [sflag:s12], $0x3800  }
0x38: {  	[sflag:s12] =	ssyncset.done $0x0  }
0x39: {  	s24 =	sadd.s32 $0xE0, s23;
	[sflag:s12] =	ssyncadd.s32 $0xFFFFC800  }
0x3a: {  	[tilespmem:s15], [sflag:$0x1] =	stream.indirect.gather [hbm4b:s1+s14], $0x80, s24, s14, $0xb8;
	[tilespmem:$0x1FB00] =	vst v63  }
0x3b: {  	_ =	swait.ge [sflag:s18], $0x3800  }
.Ltmp0:
0x3c: {  	[sflag:s18] =	ssyncset.done $0x0;
	(pc) =	sbr.rel @p0 .LBB2_2-.Ltmp0, $4  }
0x3d: {  	s23 =	sadd.s32 $0x27F0, s23;
	[sflag:s18] =	ssyncadd.s32 $0xFFFFC800  }
0x3e: {  	[spmem:s3] =	stream.indirect.scatter.add.f32 [tilespmem:s16], [sflag:$0x3], $0x80, s23, s14, $0xb8;
	[tilespmem:$0x1FB00] =	vst v63  }
0x3f: {  	_ =	swait.ge [sflag:s12], $0x3800  }
0x40: {  	s24 =	smov.u32 s28;
	s23 =	sshra.s32 s26, $0x2;
	[sflag:s12] =	ssyncset.done $0x0  }
0x41: {  	s24 =	sadd.s32 $0x70, s23;
	[sflag:s12] =	ssyncadd.s32 $0xFFFFC800  }
0x42: {  	[tilespmem:s16], [sflag:$0x2] =	stream.indirect.gather [hbm4b:s1+s14], $0x80, s24, s14, $0xb8;
	[tilespmem:$0x1FB00] =	vst v63  }
0x43: {  	_ =	swait.ge [sflag:s17], $0x3800  }
0x44: {  	[sflag:s17] =	ssyncset.done $0x0  }
0x45: {  	s29 =	sadd.s32 $0x2780, s23;
	[sflag:s17] =	ssyncadd.s32 $0xFFFFC800  }
0x46: {  	[spmem:s3] =	stream.indirect.scatter.add.f32 [tilespmem:s15], [sflag:$0x3], $0x80, s29, s14, $0xb8;
	[tilespmem:$0x1FB00] =	vst v63  }
0x47: {  	_ =	swait.ge [sflag:s12], $0x3800  }
0x48: {  	[sflag:s12] =	ssyncset.done $0x0  }
0x49: {  	s30 =	sadd.s32 $0xE0, s23;
	[sflag:s12] =	ssyncadd.s32 $0xFFFFC800  }
0x4a: {  	[tilespmem:s15], [sflag:$0x1] =	stream.indirect.gather [hbm4b:s1+s14], $0x80, s30, s14, $0xb8;
	[tilespmem:$0x1FB00] =	vst v63  }
0x4b: {  	_ =	swait.ge [sflag:s18], $0x3800  }
0x4c: {  	[sflag:s18] =	ssyncset.done $0x0  }
0x4d: {  	s31 =	sadd.s32 $0x27F0, s23;
	[sflag:s18] =	ssyncadd.s32 $0xFFFFC800  }
0x4e: {  	[spmem:s3] =	stream.indirect.scatter.add.f32 [tilespmem:s16], [sflag:$0x3], $0x80, s31, s14, $0xb8;
	[tilespmem:$0x1FB00] =	vst v63  }
0x4f: {  	_ =	swait.ge [sflag:s12], $0x3800  }
0x50: {  	[sflag:s12] =	ssyncset.done $0x0  }
0x51: {  	[sflag:s12] =	ssyncadd.s32 $0xFFFFC800  }
0x52: {  	[tilespmem:s16], [sflag:$0x2] =	stream.indirect.gather [hbm4b:s1+s14], $0x80, s19, s14, $0xb8;
	[tilespmem:$0x1FB00] =	vst v63  }
0x53: {  	_ =	swait.ge [sflag:s17], $0x3800  }
0x54: {  	[sflag:s17] =	ssyncset.done $0x0  }
0x55: {  	[sflag:s17] =	ssyncadd.s32 $0xFFFFC800  }
0x56: {  	[spmem:s3] =	stream.indirect.scatter.add.f32 [tilespmem:s15], [sflag:$0x3], $0x80, s20, s14, $0xb8;
	[tilespmem:$0x1FB00] =	vst v63  }
0x57: {  	_ =	swait.ge [sflag:s12], $0x3800  }
0x58: {  	[sflag:s12] =	ssyncset.done $0x0  }
0x59: {  	[sflag:s12] =	ssyncadd.s32 $0xFFFFC800  }
0x5a: {  	_ =	swait.ge [sflag:s18], $0x3800  }
0x5b: {  	[sflag:s18] =	ssyncset.done $0x0  }
0x5c: {  	[sflag:s18] =	ssyncadd.s32 $0xFFFFC800  }
0x5d: {  	[spmem:s3] =	stream.indirect.scatter.add.f32 [tilespmem:s16], [sflag:$0x3], $0x80, s21, s14, $0xb8;
	[tilespmem:$0x1FB00] =	vst v63  }
0x5e: {  	_ =	swait.ge [sflag:s12], $0x3800  }
0x5f: {  	s22 =	sadd.s32 $0x1, s22;
	[sflag:s12] =	ssyncset.done $0x0  }
0x60: {  	p0 =	sne.s32 s22, s10;
	[sflag:s12] =	ssyncadd.s32 $0xFFFFC800  }
.Ltmp1:
0x61: {  	[bflag:$0x0] =	sbarrier.arrive $0xFFFF;
	(pc) =	sbr.rel @p0 .LBB2_1-.Ltmp1, $4  }
0x62: {  	[hbm:s9], [sflag:s6] =	dma.local [spmem:s11], $0x2780  }
0x63: {  	_ =	swait.ge [sflag:s12], $0x2780  }
0x64: {  	[sflag:s12] =	ssyncset.done $0x0  }
0x65: {  	[sflag:s12] =	ssyncadd.s32 $0xFFFFD880  }
0x66: {  	_ =	sfence.sel $0x180000  }
0x67: {  	[bflag:$0x0] =	sbarrier.arrive $0xFFFF  }
0x68: {  	p0 =	sne.s32 s0, $0x0;
	_ =	strace $0x9000004D  }
0x69: {  	s0 =	sadd.s32 @!p0 $0x100000, s2;
	[bflag:$0x2] =	sbarrier.arrive $0xFFFF  }
0x6a: {  	[sflag:s0] =	ssyncadd.tile.s32 @!p0 $0x1;
	_ =	shalt  }
.Lfunc_end2:
_tile_overlayer_lowered:
.L_overlay_start_2:
0x6b: {  	(tag) =	ssettag $0x2  }
0x6c: {  	s0 =	rddreg [dreg:$0x0];
	s2 =	stileid.u32  }
0x6d: {  	s1 =	rddreg [dreg:$0x1];
	p0 =	sne.s32 s2, $0x0  }
0x6e: {  	s3 =	rddreg [dreg:$0x2];
	[bflag:$0x3] =	sbarrier.arrive $0xFFFF;
	s2 =	simm.s32 @!p0 $0x1C03  }
0x6f: {  	[timem:s3], [sflag:s2] =	dma.local @!p0 [hbm:s0], s1  }
0x70: {  	s0 =	simm.s32 @!p0 $0x3  }
0x71: {  	_ =	swait.ge @!p0 [sflag:s0], s1  }
0x72: {  	s1 =	ssub.s32 @!p0 $0x0, s1;
	[sflag:s0] =	ssyncset.done @!p0 $0x0  }
0x73: {  	[sflag:s0] =	ssyncadd.s32 @!p0 s1  }
0x74: {  	[bflag:$0x3] =	sbarrier.arrive $0xFFFF  }
0x75: {  	_ =	shalt  }

// kernel: kernel.19.cloned.1.call-start
scs
__scs_entry_jumppad:
0x0: {  	(pc) =	sbr.rel $0x88, $3  }
0x1: {  	(tag) =	ssettag $0x0;
	lr =	simm.s32 $0x1  }
0x2: {  	[smem:$0x3F91] =	sst lr;
	_ =	strace $0xD0000000  }
0x3: {  	_ = 	snop  }
0x4: {  	_ = 	snop  }
0x5: {  	_ = 	snop  }
0x6: {  	_ = 	snop  }
0x7: {  	_ = 	snop  }
__scs_overlays_trampoline_lowered:
0x8: {  	[smem:$0x3FA0] =	sst s0  }
0x9: {  	[smem:$0x3FA1] =	sst s1  }
0xa: {  	[smem:$0x3FA2] =	sst s2  }
0xb: {  	[smem:$0x3FA3] =	sst s3  }
0xc: {  	[smem:$0x3FA4] =	sst s4  }
0xd: {  	[smem:$0x3FA5] =	sst s5  }
0xe: {  	[smem:$0x3FA6] =	sst s6  }
0xf: {  	[smem:$0x3FA7] =	sst s7  }
0x10: {  	[smem:$0x3FA8] =	sst s8  }
0x11: {  	[smem:$0x3FA9] =	sst s9;
	s0 =	simm.s32 @!p0 $0x0  }
0x12: {  	s1 =	sld [smem:$0x3F8F];
	s0 =	simm.s32 @p0 $0x1  }
0x13: {  	[smem:$0x3FAA] =	sst s0;
	s0 =	simm.s32 @!p1 $0x0  }
0x14: {  	s2 =	sld [smem:$0x3F8E];
	s0 =	simm.s32 @p1 $0x1  }
0x15: {  	[smem:$0x3FAB] =	sst s0;
	s0 =	simm.s32 @!p2 $0x0  }
0x16: {  	s3 =	sld [smem:$0x3FDB];
	s0 =	simm.s32 @p2 $0x1  }
0x17: {  	s4 =	simm.s32 $0x1BF5;
	[smem:$0x3FAD] =	sst s0  }
0x18: {  	s0 =	sld [smem:$0x3F90];
	_ =	swait.ge [sflag:s4], $0x0  }
0x19: {  	s7 =	sld [smem:$0x3F91]  }
0x1a: {  	s8 =	sadd.s32 $0xFFFFE003, lr  }
0x1b: {  	s9 =	sadd.s32 $0xFFFFFEF7, lr;
	s5 =	simm.s32 $0xFFFFFFFF;
	p2 =	slt.u32 s8, $0xFFFFF086  }
0x1c: {  	p1 =	slt.u32 s9, $0xF7A;
	s5 =	simm.s32 @!p2 $0x0  }
0x1d: {  	s5 =	simm.s32 @p1 $0x1;
	p0 =	seq.s32 s7, s2  }
0x1e: {  	s7 =	smul.u32 @!p0 $0xF7A, s2;
	p2 =	seq.s32 @!p0 s5, $0x0  }
0x1f: {  	s9 =	smul.u32 $0xF7A, s1;
	s8 =	simm.s32 @!p0 $0x1BF5;
	p2 =	por !p2, p0  }
0x20: {  	[sflag:s8] =	ssyncset.s32 @!p0 $0xFFFFF086;
	s6 =	sadd.s32 @!p0 s3, s7;
	s7 =	simm.s32 @!p0 $0x108  }
0x21: {  	s3 =	sadd.s32 s3, s9;
	s6 =	sadd.s32 @!p0 $0x88, s6;
	s7 =	simm.s32 @p2 $0x1082  }
0x22: {  	[simem:s7], [sflag:s8] =	dma.local @!p0 [hbm:s6], $0xF7A  }
0x23: {  	s9 =	sor.u32 $0xD0000000, s2;
	s6 =	simm.s32 $0x108;
	_ =	swait.ge @!p0 [sflag:s8], $0x0  }
0x24: {  	s3 =	sadd.s32 $0x88, s3;
	s6 =	simm.s32 @!p1 $0x1082;
	[sflag:s4] =	ssyncset.s32 $0xFFFFF086  }
0x25: {  	[simem:s6], [sflag:s4] =	dma.local [hbm:s3], $0xF7A  }
0x26: {  	[smem:$0x3F91] =	sst s1;
	(tag) =	ssettag s2;
	_ =	strace s9  }
0x27: {  	s1 =	sld [smem:$0x3FA1]  }
0x28: {  	s2 =	sld [smem:$0x3FA2]  }
0x29: {  	s4 =	sld [smem:$0x3FA4]  }
0x2a: {  	p0 =	seq.s32 s5, $0x0;
	s5 =	sld [smem:$0x3FA5]  }
0x2b: {  	s6 =	sld [smem:$0x3FA6]  }
0x2c: {  	s7 =	sld [smem:$0x3FA7]  }
0x2d: {  	s3 =	simm.s32 $0x108;
	s8 =	sld [smem:$0x3FA8]  }
0x2e: {  	s3 =	simm.s32 @!p0 $0x1082;
	s9 =	sld [smem:$0x3FA9]  }
0x2f: {  	lr =	sadd.s32 s0, s3;
	s0 =	sld [smem:$0x3FA0]  }
0x30: {  	s3 =	sld [smem:$0x3FA3]  }
0x31: {  	[smem:$0x3FAC] =	sst s10  }
0x32: {  	s10 =	sld [smem:$0x3FAA];
	_ =	sdelay $0x3  }
0x33: {  	p0 =	seq.s32 s10, $0x1;
	s10 =	sld [smem:$0x3FAC];
	_ =	sdelay $0x3  }
0x34: {  	[smem:$0x3FAC] =	sst s10  }
0x35: {  	s10 =	sld [smem:$0x3FAB];
	_ =	sdelay $0x3  }
0x36: {  	p1 =	seq.s32 s10, $0x1;
	s10 =	sld [smem:$0x3FAC];
	_ =	sdelay $0x3  }
0x37: {  	[smem:$0x3FAC] =	sst s10  }
0x38: {  	s10 =	sld [smem:$0x3FAD]  }
0x39: {  	_ = 	snop;
	(pc) =	sbr.ind lr, $3  }
0x3a: {  	_ = 	snop  }
0x3b: {  	_ = 	snop  }
0x3c: {  	p2 =	seq.s32 s10, $0x1;
	s10 =	sld [smem:$0x3FAC]  }
0x3d: {  	_ =	shalt  }
0x3e: {  	_ =	shalt  }
0x3f: {  	_ =	shalt  }
0x40: {  	_ =	shalt  }
0x41: {  	_ =	shalt  }
0x42: {  	_ =	shalt  }
0x43: {  	_ =	shalt  }
0x44: {  	_ =	shalt  }
0x45: {  	_ =	shalt  }
0x46: {  	_ =	shalt  }
0x47: {  	_ =	shalt  }
0x48: {  	_ =	shalt  }
0x49: {  	_ =	shalt  }
0x4a: {  	_ =	shalt  }
0x4b: {  	_ =	shalt  }
0x4c: {  	_ =	shalt  }
0x4d: {  	_ =	shalt  }
0x4e: {  	_ =	shalt  }
0x4f: {  	_ =	shalt  }
0x50: {  	_ =	shalt  }
0x51: {  	_ =	shalt  }
0x52: {  	_ =	shalt  }
0x53: {  	_ =	shalt  }
0x54: {  	_ =	shalt  }
0x55: {  	_ =	shalt  }
0x56: {  	_ =	shalt  }
0x57: {  	_ =	shalt  }
0x58: {  	_ =	shalt  }
0x59: {  	_ =	shalt  }
0x5a: {  	_ =	shalt  }
0x5b: {  	_ =	shalt  }
0x5c: {  	_ =	shalt  }
0x5d: {  	_ =	shalt  }
0x5e: {  	_ =	shalt  }
0x5f: {  	_ =	shalt  }
0x60: {  	_ =	shalt  }
0x61: {  	_ =	shalt  }
0x62: {  	_ =	shalt  }
0x63: {  	_ =	shalt  }
0x64: {  	_ =	shalt  }
0x65: {  	_ =	shalt  }
0x66: {  	_ =	shalt  }
0x67: {  	_ =	shalt  }
0x68: {  	_ =	shalt  }
0x69: {  	_ =	shalt  }
0x6a: {  	_ =	shalt  }
0x6b: {  	_ =	shalt  }
0x6c: {  	_ =	shalt  }
0x6d: {  	_ =	shalt  }
0x6e: {  	_ =	shalt  }
0x6f: {  	_ =	shalt  }
0x70: {  	_ =	shalt  }
0x71: {  	_ =	shalt  }
0x72: {  	_ =	shalt  }
0x73: {  	_ =	shalt  }
0x74: {  	_ =	shalt  }
0x75: {  	_ =	shalt  }
0x76: {  	_ =	shalt  }
0x77: {  	_ =	shalt  }
0x78: {  	_ =	shalt  }
0x79: {  	_ =	shalt  }
0x7a: {  	_ =	shalt  }
0x7b: {  	_ =	shalt  }
0x7c: {  	_ =	shalt  }
0x7d: {  	_ =	shalt  }
0x7e: {  	_ =	shalt  }
0x7f: {  	_ =	shalt  }
0x80: {  	_ =	shalt  }
0x81: {  	_ =	shalt  }
0x82: {  	_ =	shalt  }
0x83: {  	_ =	shalt  }
0x84: {  	_ =	shalt  }
0x85: {  	_ =	shalt  }
0x86: {  	_ =	shalt  }
0x87: {  	_ =	shalt  }
.Lfunc_end0:
.L_simem_size_0:
called_computation.3_lowered:
.L_overlay_start_0:
0x88: {  	s2 =	sld [smem:$0x3FD9]  }
0x89: {  	s3 =	sld [smem:$0x3FFE];
	_ =	sdelay $0x1  }
0x8a: {  	s1 =	srdreg.scid  }
0x8b: {  	s0 =	sand.u32 $0x1, s1  }
0x8c: {  	s14 =	sshll.u32 s0, $0xA;
	s2 =	sadd.s32 s3, s2  }
0x8d: {  	s2 =	sadd.s32 s2, s14  }
0x8e: {  	[smem:$0x3FB8] =	sst s2  }
0x8f: {  	_ = 	snop  }
0x90: {  	s2 =	sld [smem:$0x3FD0];
	_ =	sdelay $0x2  }
0x91: {  	s15 =	simm.s32 $0xA;
	s4 =	simm.s32 $0x10  }
0x92: {  	[smem:s4], [sflag:s15] =	dma.local [hbm:s2], $0x1  }
0x93: {  	_ =	swait.eq [sflag:s15], $0x1  }
0x94: {  	[sflag:s15] =	ssyncset.done $0x0  }
0x95: {  	s16 =	sld [smem:$0x10];
	[sflag:s15] =	ssyncadd.s32 $0xFFFFFFFF  }
0x96: {  	s17 =	sld [smem:$0x11];
	(tm) =	ssettm $0x1  }
0x97: {  	s18 =	sld [smem:$0x3FFB];
	_ =	sdelay $0x3  }
0x98: {  	_ =	strace s18  }
0x99: {  	s4 =	sld [smem:$0x3FFC];
	_ =	sdelay $0x3  }
0x9a: {  	_ =	strace s4  }
0x9b: {  	s4 =	sld [smem:$0x3FFD];
	_ =	sdelay $0x3  }
0x9c: {  	_ =	strace s4  }
0x9d: {  	_ =	strace $0x8FFFFFFF  }
0x9e: {  	s19 =	sld [smem:$0x3FDB];
	_ =	sdelay $0x1  }
0x9f: {  	s5 =	simm.s32 $_scs_section_size  }
0xa0: {  	s6 =	simm.s32 $_size__tile_overlayer_lowered;
	s7 =	simm.s32 $_tile_overlayer_lowered  }
0xa1: {  	s22 =	simm.s32 $0x1BFF;
	s21 =	sshll.u32 s7, $0x1;
	s4 =	sadd.s32 s5, s19  }
0xa2: {  	s8 =	simm.s32 $0x0;
	s20 =	sshll.u32 s6, $0x1;
	s6 =	sadd.s32 s21, s4  }
0xa3: {  	[timem:s8], [sflag:s22] =	dma.local [hbm:s6], s20  }
0xa4: {  	_ =	swait.ge [sflag:s22], s20  }
0xa5: {  	s5 =	ssub.s32 $0x0, s20;
	[sflag:s22] =	ssyncset.done $0x0  }
0xa6: {  	[sflag:s22] =	ssyncadd.s32 s5;
	_ =	sdelay $0x1  }
0xa7: {  	s23 =	simm.s32 $0x1B8B  }
0xa8: {  	_ =	swait.ge [sflag:s23], $0x1  }
0xa9: {  	[sflag:s23] =	ssyncset.done $0x0  }
0xaa: {  	s25 =	simm.s32 $0x1B8E;
	s24 =	sld [smem:$0x3FFE];
	[sflag:s23] =	ssyncadd.s32 $0xFFFFFFFF  }
0xab: {  	s26 =	simm.s32 $execute0_lowered;
	[smem:$0x3FD2] =	sst s25  }
0xac: {  	s6 =	sshll.u32 s26, $0x1;
	_ =	strace $0x8000004F;
	[dreg:$0x1] =	wrdreg $0xFFFFFFFF  }
0xad: {  	s28 =	simm.s32 $_size_execute0_lowered;
	s4 =	sadd.s32 s4, s6;
	[dreg:$0x0] =	wrdreg $0x0  }
0xae: {  	s6 =	sshll.u32 s28, $0x1;
	[dreg:$0x2] =	wrdreg s4  }
0xaf: {  	[dreg:$0x3] =	wrdreg s6  }
0xb0: {  	[dreg:$0x4] =	wrdreg $0xC0  }
0xb1: {  	_ =	task [dreg:s8], $0x5FFFF  }
0xb2: {  	[dreg:$0x1] =	wrdreg $0xFFFFFFFF  }
0xb3: {  	[dreg:$0x0] =	wrdreg $0x60  }
0xb4: {  	[dreg:$0x2] =	wrdreg s16  }
0xb5: {  	[dreg:$0x3] =	wrdreg s24  }
0xb6: {  	[dreg:$0x4] =	wrdreg s17  }
0xb7: {  	[dreg:$0x5] =	wrdreg $0xBF000  }
0xb8: {  	[dreg:$0x6] =	wrdreg $0x9  }
0xb9: {  	_ =	task.clear_ibuf [dreg:s8], $0x7FFFF;
	_ =	strace $0x9000004F  }
0xba: {  	s29 =	simm.s32 $0x9;
	_ =	strace $0x80000051  }
0xbb: {  	_ =	swait.ge [sflag:s29], $0x1  }
0xbc: {  	[sflag:s29] =	ssyncadd.s32 $0xFFFFFFFF  }
0xbd: {  	_ =	strace $0x90000051  }
0xbe: {  	_ =	sfence  }
0xbf: {  	s30 =	sld [smem:$0x0];
	_ =	sdelay $0x2  }
0xc0: {  	s31 =	sshll.u32 s1, $0xD;
	s1 =	sshrl.u32 s1, $0x2  }
0xc1: {  	s3 =	sand.u32 $0x4000, s31;
	s1 =	sadd.s32 s1, s30  }
0xc2: {  	s0 =	sor.u32 s3, s0;
	s1 =	sshll.u32 s1, $0x11  }
0xc3: {  	s0 =	sor.u32 s1, s0  }
0xc4: {  	s0 =	sadd.s32 $0x8F2B, s0  }
0xc5: {  	[sflag:s0] =	ssyncadd.remote.s32 $0x1  }
0xc6: {  	_ =	sfence.sel $0xFFFF  }
0xc7: {  	[dreg:$0x0] =	wrdreg $0xFFFFFFFF;
	(pc) =	sbr.abs _section_cstart, $3  }
0xc8: {  	[dreg:$0x1] =	wrdreg $0xFFFFFFFF  }
0xc9: {  	_ =	task.clear_ibuf [dreg:s8], $0x2FFFF;
	_ =	strace $0x9FFFFFFF  }
0xca: {  	(tm) =	ssettm $0x7FFFFFFF  }
0xcb: {  	_ =	shalt  }
tec
execute0_lowered:
.L_overlay_start_1:
0x0: {  	(tag) =	ssettag $0x1  }
0x1: {  	s1 =	rddreg [dreg:$0x0]  }
0x2: {  	s6 =	rddreg [dreg:$0x1]  }
0x3: {  	s8 =	rddreg [dreg:$0x2]  }
0x4: {  	s0 =	srdreg.scid;
	s3 =	rddreg [dreg:$0x3];
	s4 =	simm.s32 $0x0  }
0x5: {  	s14 =	simm.s32 $0x70;
	s15 =	simm.s32 $0x4F00;
	s16 =	simm.s32 $0x8700  }
0x6: {  	s17 =	simm.s32 $0x1;
	s18 =	simm.s32 $0x2;
	s19 =	simm.s32 $0x26F0  }
0x7: {  	s20 =	simm.s32 $0x4E00;
	s21 =	simm.s32 $0x4E70;
	s5 =	sand.u32 $0x1, s0  }
0x8: {  	s22 =	simm.s32 $0x0;
	s0 =	stileid.u32;
	s7 =	smul.u32 $0x13C000, s5  }
0x9: {  	[smem:$0x7FF] =	sst s4;
	s2 =	sshll.u32 s5, $0x4;
	s10 =	smul.u32 $0x13C00, s0  }
0xa: {  	s28 =	ssub.s32 $0x2, s5;
	s12 =	smul.u32 $0x4F000, s0;
	s5 =	sadd.s32 $0x4E00, s6  }
0xb: {  	s31 =	sshll.u32 s0, $0x6;
	s2 =	sor.u32 s0, s2;
	s29 =	sshrl.u32 s28, $0x1  }
0xc: {  	s9 =	smul.u32 $0x4EC, s2;
	s2 =	rddreg [dreg:$0x4];
	_ =	strace $0x80000050  }
0xd: {  	s7 =	sadd.s32 s10, s7;
	s10 =	ssub.s32 s28, s29;
	s30 =	sshrl.u32 s12, $0x2  }
0xe: {  	s7 =	sshrl.u32 s7, $0x3;
	s12 =	sadd.s32 s30, s3;
	s10 =	smax.u32 s10, $0x1  }
0xf: {  	s11 =	sadd.s32 s9, s6;
	s13 =	sadd.s32 s7, s6;
	s6 =	sor.u32 $0x1C03, s31  }
0x10: {  	s8 =	sadd.s32 s8, s9;
	s7 =	sadd.s32 $0x56600, s11;
	s9 =	sadd.s32 $0x7600, s13  }
0x11: {  	s11 =	sshrl.u32 s12, $0x3;
	s12 =	simm.s32 $0x3;
	s13 =	simm.s32 $0x2780  }
.LBB2_1:
0x12: {  	[spmem:s11], [sflag:s6] =	dma.local [hbm:s5], $0x2780  }
0x13: {  	_ =	swait.ge [sflag:s12], $0x2780  }
0x14: {  	[sflag:s12] =	ssyncset.done $0x0  }
0x15: {  	[sflag:s12] =	ssyncadd.s32 $0xFFFFD880  }
0x16: {  	[tilespmem:s4], [sflag:$0x3] =	stream.linear.gather [hbm4b:s7+s4], $0x2760, $0x38;
	[tilespmem:$0x1FB00] =	vst v63  }
0x17: {  	_ =	swait.ge [sflag:s12], $0x2760  }
0x18: {  	[sflag:s12] =	ssyncset.done $0x0  }
0x19: {  	[sflag:s12] =	ssyncadd.s32 $0xFFFFD8A0  }
0x1a: {  	[tilespmem:s13], [sflag:$0x3] =	stream.linear.gather [hbm4b:s8+s4], $0x2760, $0x38;
	[tilespmem:$0x1FB00] =	vst v63  }
0x1b: {  	_ =	swait.ge [sflag:s12], $0x2760  }
0x1c: {  	[sflag:s12] =	ssyncset.done $0x0  }
0x1d: {  	[sflag:s12] =	ssyncadd.s32 $0xFFFFD8A0  }
0x1e: {  	[bflag:$0x0] =	sbarrier.arrive $0xFFFF  }
0x1f: {  	[tilespmem:s15], [sflag:$0x1] =	stream.indirect.gather [hbm4b:s1+s14], $0x80, s4, s14, $0xb8;
	[tilespmem:$0x1FB00] =	vst v63  }
0x20: {  	s23 =	simm.s32 $0x70  }
0x21: {  	[tilespmem:s16], [sflag:$0x2] =	stream.indirect.gather [hbm4b:s1+s14], $0x80, s23, s14, $0xb8;
	[tilespmem:$0x1FB00] =	vst v63  }
0x22: {  	_ =	swait.ge [sflag:s17], $0x3800  }
0x23: {  	[sflag:s17] =	ssyncset.done $0x0  }
0x24: {  	s29 =	simm.s32 $0x2780;
	[sflag:s17] =	ssyncadd.s32 $0xFFFFC800  }
0x25: {  	[spmem:s3] =	stream.indirect.scatter.add.f32 [tilespmem:s15], [sflag:$0x3], $0x80, s29, s14, $0xb8;
	[tilespmem:$0x1FB00] =	vst v63  }
0x26: {  	_ =	swait.ge [sflag:s12], $0x3800  }
0x27: {  	[sflag:s12] =	ssyncset.done $0x0  }
0x28: {  	s30 =	simm.s32 $0xE0;
	[sflag:s12] =	ssyncadd.s32 $0xFFFFC800  }
0x29: {  	[tilespmem:s15], [sflag:$0x1] =	stream.indirect.gather [hbm4b:s1+s14], $0x80, s30, s14, $0xb8;
	[tilespmem:$0x1FB00] =	vst v63  }
0x2a: {  	_ =	swait.ge [sflag:s18], $0x3800  }
0x2b: {  	[sflag:s18] =	ssyncset.done $0x0  }
0x2c: {  	s31 =	simm.s32 $0x27F0;
	[sflag:s18] =	ssyncadd.s32 $0xFFFFC800  }
0x2d: {  	[spmem:s3] =	stream.indirect.scatter.add.f32 [tilespmem:s16], [sflag:$0x3], $0x80, s31, s14, $0xb8;
	[tilespmem:$0x1FB00] =	vst v63  }
0x2e: {  	_ =	swait.ge [sflag:s12], $0x3800  }
0x2f: {  	s24 =	simm.s32 $0x700;
	s23 =	simm.s32 $0xE0;
	[sflag:s12] =	ssyncset.done $0x0  }
.LBB2_2:
0x30: {  	s25 =	sadd.s32 $0x70, s23  }
0x31: {  	[sflag:s12] =	ssyncadd.s32 $0xFFFFC800;
	s26 =	smov.u32 s24;
	s28 =	sadd.s32 $0x380, s24  }
0x32: {  	[tilespmem:s16], [sflag:$0x2] =	stream.indirect.gather [hbm4b:s1+s14], $0x80, s25, s14, $0xb8;
	[tilespmem:$0x1FB00] =	vst v63  }
0x33: {  	p0 =	sne.s32 s24, $0x9680;
	_ =	swait.ge [sflag:s17], $0x3800  }
0x34: {  	[sflag:s17] =	ssyncset.done $0x0  }
0x35: {  	s24 =	sadd.s32 $0x2780, s23;
	[sflag:s17] =	ssyncadd.s32 $0xFFFFC800  }
0x36: {  	[spmem:s3] =	stream.indirect.scatter.add.f32 [tilespmem:s15], [sflag:$0x3], $0x80, s24, s14, $0xb8;
	[tilespmem:$0x1FB00] =	vst v63  }
0x37: {  	_ =	swait.ge [sflag:s12], $0x3800  }
0x38: {  	[sflag:s12] =	ssyncset.done $0x0  }
0x39: {  	s24 =	sadd.s32 $0xE0, s23;
	[sflag:s12] =	ssyncadd.s32 $0xFFFFC800  }
0x3a: {  	[tilespmem:s15], [sflag:$0x1] =	stream.indirect.gather [hbm4b:s1+s14], $0x80, s24, s14, $0xb8;
	[tilespmem:$0x1FB00] =	vst v63  }
0x3b: {  	_ =	swait.ge [sflag:s18], $0x3800  }
.Ltmp0:
0x3c: {  	[sflag:s18] =	ssyncset.done $0x0;
	(pc) =	sbr.rel @p0 .LBB2_2-.Ltmp0, $4  }
0x3d: {  	s23 =	sadd.s32 $0x27F0, s23;
	[sflag:s18] =	ssyncadd.s32 $0xFFFFC800  }
0x3e: {  	[spmem:s3] =	stream.indirect.scatter.add.f32 [tilespmem:s16], [sflag:$0x3], $0x80, s23, s14, $0xb8;
	[tilespmem:$0x1FB00] =	vst v63  }
0x3f: {  	_ =	swait.ge [sflag:s12], $0x3800  }
0x40: {  	s24 =	smov.u32 s28;
	s23 =	sshra.s32 s26, $0x2;
	[sflag:s12] =	ssyncset.done $0x0  }
0x41: {  	s24 =	sadd.s32 $0x70, s23;
	[sflag:s12] =	ssyncadd.s32 $0xFFFFC800  }
0x42: {  	[tilespmem:s16], [sflag:$0x2] =	stream.indirect.gather [hbm4b:s1+s14], $0x80, s24, s14, $0xb8;
	[tilespmem:$0x1FB00] =	vst v63  }
0x43: {  	_ =	swait.ge [sflag:s17], $0x3800  }
0x44: {  	[sflag:s17] =	ssyncset.done $0x0  }
0x45: {  	s29 =	sadd.s32 $0x2780, s23;
	[sflag:s17] =	ssyncadd.s32 $0xFFFFC800  }
0x46: {  	[spmem:s3] =	stream.indirect.scatter.add.f32 [tilespmem:s15], [sflag:$0x3], $0x80, s29, s14, $0xb8;
	[tilespmem:$0x1FB00] =	vst v63  }
0x47: {  	_ =	swait.ge [sflag:s12], $0x3800  }
0x48: {  	[sflag:s12] =	ssyncset.done $0x0  }
0x49: {  	s30 =	sadd.s32 $0xE0, s23;
	[sflag:s12] =	ssyncadd.s32 $0xFFFFC800  }
0x4a: {  	[tilespmem:s15], [sflag:$0x1] =	stream.indirect.gather [hbm4b:s1+s14], $0x80, s30, s14, $0xb8;
	[tilespmem:$0x1FB00] =	vst v63  }
0x4b: {  	_ =	swait.ge [sflag:s18], $0x3800  }
0x4c: {  	[sflag:s18] =	ssyncset.done $0x0  }
0x4d: {  	s31 =	sadd.s32 $0x27F0, s23;
	[sflag:s18] =	ssyncadd.s32 $0xFFFFC800  }
0x4e: {  	[spmem:s3] =	stream.indirect.scatter.add.f32 [tilespmem:s16], [sflag:$0x3], $0x80, s31, s14, $0xb8;
	[tilespmem:$0x1FB00] =	vst v63  }
0x4f: {  	_ =	swait.ge [sflag:s12], $0x3800  }
0x50: {  	[sflag:s12] =	ssyncset.done $0x0  }
0x51: {  	[sflag:s12] =	ssyncadd.s32 $0xFFFFC800  }
0x52: {  	[tilespmem:s16], [sflag:$0x2] =	stream.indirect.gather [hbm4b:s1+s14], $0x80, s19, s14, $0xb8;
	[tilespmem:$0x1FB00] =	vst v63  }
0x53: {  	_ =	swait.ge [sflag:s17], $0x3800  }
0x54: {  	[sflag:s17] =	ssyncset.done $0x0  }
0x55: {  	[sflag:s17] =	ssyncadd.s32 $0xFFFFC800  }
0x56: {  	[spmem:s3] =	stream.indirect.scatter.add.f32 [tilespmem:s15], [sflag:$0x3], $0x80, s20, s14, $0xb8;
	[tilespmem:$0x1FB00] =	vst v63  }
0x57: {  	_ =	swait.ge [sflag:s12], $0x3800  }
0x58: {  	[sflag:s12] =	ssyncset.done $0x0  }
0x59: {  	[sflag:s12] =	ssyncadd.s32 $0xFFFFC800  }
0x5a: {  	_ =	swait.ge [sflag:s18], $0x3800  }
0x5b: {  	[sflag:s18] =	ssyncset.done $0x0  }
0x5c: {  	[sflag:s18] =	ssyncadd.s32 $0xFFFFC800  }
0x5d: {  	[spmem:s3] =	stream.indirect.scatter.add.f32 [tilespmem:s16], [sflag:$0x3], $0x80, s21, s14, $0xb8;
	[tilespmem:$0x1FB00] =	vst v63  }
0x5e: {  	_ =	swait.ge [sflag:s12], $0x3800  }
0x5f: {  	s22 =	sadd.s32 $0x1, s22;
	[sflag:s12] =	ssyncset.done $0x0  }
0x60: {  	p0 =	sne.s32 s22, s10;
	[sflag:s12] =	ssyncadd.s32 $0xFFFFC800  }
.Ltmp1:
0x61: {  	[bflag:$0x0] =	sbarrier.arrive $0xFFFF;
	(pc) =	sbr.rel @p0 .LBB2_1-.Ltmp1, $4  }
0x62: {  	[hbm:s9], [sflag:s6] =	dma.local [spmem:s11], $0x2780  }
0x63: {  	_ =	swait.ge [sflag:s12], $0x2780  }
0x64: {  	[sflag:s12] =	ssyncset.done $0x0  }
0x65: {  	[sflag:s12] =	ssyncadd.s32 $0xFFFFD880  }
0x66: {  	_ =	sfence.sel $0x180000  }
0x67: {  	[bflag:$0x0] =	sbarrier.arrive $0xFFFF  }
0x68: {  	p0 =	sne.s32 s0, $0x0;
	_ =	strace $0x90000050  }
0x69: {  	s0 =	sadd.s32 @!p0 $0x100000, s2;
	[bflag:$0x2] =	sbarrier.arrive $0xFFFF  }
0x6a: {  	[sflag:s0] =	ssyncadd.tile.s32 @!p0 $0x1;
	_ =	shalt  }
.Lfunc_end2:
_tile_overlayer_lowered:
.L_overlay_start_2:
0x6b: {  	(tag) =	ssettag $0x2  }
0x6c: {  	s0 =	rddreg [dreg:$0x0];
	s2 =	stileid.u32  }
0x6d: {  	s1 =	rddreg [dreg:$0x1];
	p0 =	sne.s32 s2, $0x0  }
0x6e: {  	s3 =	rddreg [dreg:$0x2];
	[bflag:$0x3] =	sbarrier.arrive $0xFFFF;
	s2 =	simm.s32 @!p0 $0x1C03  }
0x6f: {  	[timem:s3], [sflag:s2] =	dma.local @!p0 [hbm:s0], s1  }
0x70: {  	s0 =	simm.s32 @!p0 $0x3  }
0x71: {  	_ =	swait.ge @!p0 [sflag:s0], s1  }
0x72: {  	s1 =	ssub.s32 @!p0 $0x0, s1;
	[sflag:s0] =	ssyncset.done @!p0 $0x0  }
0x73: {  	[sflag:s0] =	ssyncadd.s32 @!p0 s1  }
0x74: {  	[bflag:$0x3] =	sbarrier.arrive $0xFFFF  }
0x75: {  	_ =	shalt  }

</sc_bundles>
